<compile_context>
chip_gen: v7x
topology: tpu7x:2x2x1
jax: 0.10.2.dev20260603
libtpu: 0.0.44.dev20260713+nightly
codegen_flags: <defaults>
</compile_context>

<pallas_src>
import jax
import jax.numpy as jnp
from jax import lax
from jax.experimental import pallas as pl
from jax.experimental.pallas import tpu as pltpu
from jax.experimental.pallas import tpu_sc as plsc

N_GRAPHS = 256
N_PER = 64
EMB = 16
OUT = 64
E_EDGES = 262144
TOTAL_PAIRS = N_GRAPHS * N_PER * N_PER

HALF = TOTAL_PAIRS // 2
CHUNK = 8192
CH_SH = 13
NCH = HALF // CHUNK
NTILES = 16
EPT = E_EDGES // NTILES
SBLK = 4096
NBLK = EPT // SBLK
K = 128
CPT = CHUNK // NTILES
EID_BITS = 18

ROW_BLK = 8192


def _mm_body(xt_ref, w_ref, d_ref, o_ref):
    mm = lax.dot_general(
        w_ref[...], xt_ref[...],
        dimension_numbers=(((1,), (0,)), ((), ())),
        preferred_element_type=jnp.float32)
    eye = (lax.broadcasted_iota(jnp.int32, (OUT, OUT), 0) ==
           lax.broadcasted_iota(jnp.int32, (OUT, OUT), 1)).astype(jnp.float32)
    dt = lax.dot_general(
        eye, d_ref[:, :OUT],
        dimension_numbers=(((1,), (1,)), ((), ())),
        preferred_element_type=jnp.float32)
    o_ref[...] = mm + dt


def _matmul_add(gm_val, W, delta):
    gmt = jnp.transpose(gm_val)
    grid = TOTAL_PAIRS // ROW_BLK
    outt = pl.pallas_call(
        _mm_body,
        grid=(grid,),
        in_specs=[
            pl.BlockSpec((EMB, ROW_BLK), lambda i: (0, i)),
            pl.BlockSpec((OUT, EMB), lambda i: (0, 0)),
            pl.BlockSpec((ROW_BLK, 2 * OUT), lambda i: (i, 0)),
        ],
        out_specs=pl.BlockSpec((OUT, ROW_BLK), lambda i: (0, i)),
        out_shape=jax.ShapeDtypeStruct((OUT, TOTAL_PAIRS), jnp.float32),
    )(gmt, W, delta)
    return jnp.transpose(outt)


def _sc_body(es_hbm, ed_hbm, ea_hbm, out_hbm,
             sst, sdt, packed,
             cntv, offv, nextv,
             gidx, sidx, grow, zbuf, chunk_sp):
    c = lax.axis_index("c")
    s = lax.axis_index("s")
    lo = c * HALF
    base_e = s * EPT
    iota16 = lax.iota(jnp.int32, 16)

    zero16 = jnp.zeros((16,), jnp.int32)
    for j in range(NCH // 16):
        cntv[pl.ds(j * 16, 16)] = zero16

    def p1_blk(t, carry):
        pltpu.sync_copy(es_hbm.at[pl.ds(base_e + t * SBLK, SBLK)], sst)
        pltpu.sync_copy(ed_hbm.at[pl.ds(base_e + t * SBLK, SBLK)], sdt)

        def p1(i, icarry):
            sv = sst[pl.ds(i * 16, 16)]
            dv = sdt[pl.ds(i * 16, 16)]
            p = sv * OUT + jnp.bitwise_and(dv, N_PER - 1)
            q = p - lo
            mine = (q >= 0) & (q < HALF)
            b = jnp.where(mine, lax.shift_right_logical(q, CH_SH), 0)
            cnt, last = plsc.scan_count(b, mask=mine)
            plsc.addupdate_scatter(cntv, [b], cnt, mask=last & mine)
            return icarry

        lax.fori_loop(0, SBLK // 16, p1, 0)
        return carry

    lax.fori_loop(0, NBLK, p1_blk, 0)

    carry = jnp.int32(0)
    for j in range(NCH // 16):
        v = cntv[pl.ds(j * 16, 16)]
        cs = plsc.cumsum(v)
        excl = cs - v + carry
        offv[pl.ds(j * 16, 16)] = excl
        nextv[pl.ds(j * 16, 16)] = excl
        carry = carry + jnp.sum(v)

    def p3_blk(t, carry):
        pltpu.sync_copy(es_hbm.at[pl.ds(base_e + t * SBLK, SBLK)], sst)
        pltpu.sync_copy(ed_hbm.at[pl.ds(base_e + t * SBLK, SBLK)], sdt)

        def p3(i, icarry):
            sv = sst[pl.ds(i * 16, 16)]
            dv = sdt[pl.ds(i * 16, 16)]
            p = sv * OUT + jnp.bitwise_and(dv, N_PER - 1)
            q = p - lo
            mine = (q >= 0) & (q < HALF)
            b = jnp.where(mine, lax.shift_right_logical(q, CH_SH), 0)
            cnt, last = plsc.scan_count(b, mask=mine)
            basev = plsc.load_gather(nextv, [b], mask=mine)
            dest = basev + cnt - 1
            posl = jnp.bitwise_and(q, CHUNK - 1)
            eid = base_e + t * SBLK + i * 16 + iota16
            val = jnp.bitwise_or(lax.shift_left(posl, EID_BITS), eid)
            plsc.store_scatter(packed, [dest], val, mask=mine)
            plsc.addupdate_scatter(nextv, [b], cnt, mask=last & mine)
            return icarry

        lax.fori_loop(0, SBLK // 16, p3, 0)
        return carry

    lax.fori_loop(0, NBLK, p3_blk, 0)

    zf32 = jnp.zeros((16,), jnp.float32)

    def zfill(i, carry):
        for j in range(8):
            zbuf[i, pl.ds(j * 16, 16)] = zf32
        return carry

    lax.fori_loop(0, 64, zfill, 0)

    myr = s * CPT

    def chunk_body(ch, carry):
        row0 = lo + ch * CHUNK
        for z in range(CPT // 64):
            pltpu.sync_copy(zbuf, chunk_sp.at[pl.ds(myr + z * 64, 64)])
        plsc.subcore_barrier()
        g = lax.shift_left(lax.shift_right_logical(ch, 4), 4)
        lane = jnp.bitwise_and(ch, 15)
        zi = jnp.zeros((16,), jnp.int32)
        n = jnp.sum(jnp.where(iota16 == lane, cntv[pl.ds(g, 16)], zi))
        start = jnp.sum(jnp.where(iota16 == lane, offv[pl.ds(g, 16)], zi))
        nb = lax.shift_right_logical(n + K - 1, 7)

        def batch_body(bi, bcarry):
            for j in range(K // 16):
                k16 = bi * K + j * 16
                v = packed[pl.ds(start + k16, 16)]
                lanes = k16 + iota16
                valid = lanes < n
                eid = jnp.where(
                    valid, jnp.bitwise_and(v, (1 << EID_BITS) - 1),
                    jnp.bitwise_and(s * 16 + lanes, E_EDGES - 1))
                posl = jnp.where(
                    valid, lax.shift_right_logical(v, EID_BITS),
                    CHUNK + s)
                gidx[pl.ds(j * 16, 16)] = eid
                sidx[pl.ds(j * 16, 16)] = posl
            pltpu.sync_copy(ea_hbm.at[gidx], grow)
            pltpu.sync_copy(grow, chunk_sp.at[sidx], add=True)
            return bcarry

        lax.fori_loop(0, nb, batch_body, 0)
        plsc.subcore_barrier()
        pltpu.sync_copy(chunk_sp.at[pl.ds(myr, CPT)],
                        out_hbm.at[pl.ds(row0 + myr, CPT)])
        return carry

    lax.fori_loop(0, NCH, chunk_body, 0)


def _sc_scatter(edge_index, edge_attr):
    mesh = plsc.VectorSubcoreMesh(core_axis_name="c", subcore_axis_name="s")
    return pl.kernel(
        _sc_body,
        out_type=jax.ShapeDtypeStruct((TOTAL_PAIRS, 2 * OUT), jnp.float32),
        mesh=mesh,
        compiler_params=pltpu.CompilerParams(needs_layout_passes=False),
        scratch_types=[
            pltpu.VMEM((SBLK,), jnp.int32),
            pltpu.VMEM((SBLK,), jnp.int32),
            pltpu.VMEM((EPT,), jnp.int32),
            pltpu.VMEM((NCH,), jnp.int32),
            pltpu.VMEM((NCH,), jnp.int32),
            pltpu.VMEM((NCH,), jnp.int32),
            pltpu.VMEM((K,), jnp.int32),
            pltpu.VMEM((K,), jnp.int32),
            pltpu.VMEM((K, 2 * OUT), jnp.float32),
            pltpu.VMEM((64, 2 * OUT), jnp.float32),
            pltpu.VMEM_SHARED((CHUNK + 16, 2 * OUT), jnp.float32),
        ],
    )(edge_index[0], edge_index[1],
      jnp.pad(edge_attr, ((0, 0), (0, OUT))))


def _full_out_idx():
    off = jnp.repeat(jnp.arange(N_GRAPHS, dtype=jnp.int32) * N_PER, N_PER * N_PER)
    ii = jnp.tile(jnp.repeat(jnp.arange(N_PER, dtype=jnp.int32), N_PER), N_GRAPHS)
    jj = jnp.tile(jnp.arange(N_PER, dtype=jnp.int32), N_GRAPHS * N_PER)
    return jnp.stack([off + ii, off + jj])


def kernel(gm_val, gm_index, edge_index, edge_attr, batch, W):
    delta = _sc_scatter(edge_index, edge_attr)
    out_val = _matmul_add(gm_val, W, delta)
    return _full_out_idx(), out_val

# --- scband reference (transcript-rebuilt; emitter-appended) ---
"""Pipeline reference for scband-gmlinear-edge-encoder-74972949118977 (READ-ONLY COPY).

The authoritative reference and input builder live on the scoring server;
editing this copy changes nothing except your own understanding.
"""

import jax, jax.numpy as jnp
import numpy as np

N_GRAPHS = 256
N_PER = 64
N_NODES = N_GRAPHS * N_PER
EMB = 16
OUT = 64
E_EDGES = 262144
TOTAL_PAIRS = N_GRAPHS * N_PER * N_PER


def _full_index():
    off = jnp.repeat(jnp.arange(N_GRAPHS) * N_PER, N_PER * N_PER)
    ii = jnp.tile(jnp.repeat(jnp.arange(N_PER), N_PER), N_GRAPHS)
    jj = jnp.tile(jnp.arange(N_PER), N_GRAPHS * N_PER)
    return jnp.stack([off + ii, off + jj])


def setup_inputs(seed: int = 0):
    key = jax.random.key(seed)
    k1, k2, k3, k4, k5, k6 = jax.random.split(key, 6)
    # gm_index: all intra-graph pairs (dense graph-matrix, e.g. shortest-path distances)
    gm_index = _full_index()
    gm_val = jax.random.normal(k1, (TOTAL_PAIRS, EMB), dtype=jnp.float32)
    # sparse edges: random intra-graph pairs (avg degree 16)
    eg = jax.random.randint(k2, (E_EDGES,), 0, N_GRAPHS)
    es = jax.random.randint(k3, (E_EDGES,), 0, N_PER)
    ed = jax.random.randint(k4, (E_EDGES,), 0, N_PER)
    edge_index = jnp.stack([eg * N_PER + es, eg * N_PER + ed])
    edge_attr = jax.random.normal(k5, (E_EDGES, OUT), dtype=jnp.float32)
    batch = jnp.repeat(jnp.arange(N_GRAPHS), N_PER)
    # fc weight (xavier-uniform, no bias)
    limit = float(np.sqrt(6.0 / (EMB + OUT)))
    W = jax.random.uniform(k6, (OUT, EMB), minval=-limit, maxval=limit, dtype=jnp.float32)
    return {"gm_val": gm_val, "gm_index": gm_index, "edge_index": edge_index,
            "edge_attr": edge_attr, "batch": batch, "W": W}


def _pos(idx):
    s, d = idx[0], idx[1]
    g = s // N_PER
    return g * (N_PER * N_PER) + (s % N_PER) * N_PER + (d % N_PER)


def reference(gm_val, gm_index, edge_index, edge_attr, batch, W):
    # gm_val = self.fc(gm_val)
    gm_proj = gm_val @ W.T
    # full_edge_index(batch.batch): all intra-graph pairs, row-major per graph
    out_idx = _full_index()
    # padding = fill_value(0.0) repeated over all pairs; coalesce with op='add' over
    # [edge_index | gm_index | full_index]. All indices are intra-graph, so the
    # coalesced (sorted) index set equals the full index; duplicates sum.
    out_val = jnp.zeros((TOTAL_PAIRS, OUT), dtype=jnp.float32)
    out_val = out_val.at[_pos(edge_index)].add(edge_attr)
    out_val = out_val.at[_pos(gm_index)].add(gm_proj)
    return out_idx, out_val

if __name__ == "__main__":
    import jax
    _d = setup_inputs()
    print(jax.jit(kernel)(*tuple(_d.values())))

</pallas_src>

<mosaic_0001>
#map = affine_map<(d0, d1) -> (0)>
#map1 = affine_map<(d0, d1) -> (0, 0)>
module attributes {stable_mosaic.version = 14 : i64} {
  func.func @_sc_body(%arg0: i32, %arg1: i32, %arg2: memref<262144xi32, #tpu.memory_space<hbm>>, %arg3: memref<262144xi32, #tpu.memory_space<hbm>>, %arg4: memref<262144x128xf32, #tpu.memory_space<hbm>>, %arg5: memref<1048576x128xf32, #tpu.memory_space<hbm>>, %arg6: memref<4096xi32, #tpu.memory_space<vmem>>, %arg7: memref<4096xi32, #tpu.memory_space<vmem>>, %arg8: memref<16384xi32, #tpu.memory_space<vmem>>, %arg9: memref<64xi32, #tpu.memory_space<vmem>>, %arg10: memref<64xi32, #tpu.memory_space<vmem>>, %arg11: memref<64xi32, #tpu.memory_space<vmem>>, %arg12: memref<128xi32, #tpu.memory_space<vmem>>, %arg13: memref<128xi32, #tpu.memory_space<vmem>>, %arg14: memref<128x128xf32, #tpu.memory_space<vmem>>, %arg15: memref<64x128xf32, #tpu.memory_space<vmem>>, %arg16: memref<8208x128xf32, #tpu.memory_space<vmem_shared>>) attributes {dimension_semantics = [#tpu.dimension_semantics<core_parallel>, #tpu.dimension_semantics<subcore_parallel>], iteration_bounds = array<i64: 2, 16>, scalar_prefetch = 0 : i64, scratch_operands = 11 : i64, tpu.core_type = #tpu.core_type<sc_vector_subcore>, window_params = [{transform_indices = #map}, {transform_indices = #map}, {transform_indices = #map1}, {transform_indices = #map1}]} {
    %mul3A = arith.constant 524288 : i32
    %mul3A_0 = arith.muli %arg0, %mul3A : i32
    %mul3A_1 = arith.constant 16384 : i32
    %mul3A_2 = arith.muli %arg1, %mul3A_1 : i32
    %iota3A = tpu.iota {dimensions = array<i32: 0>} : vector<16xi32>
    %broadcast_in_dim3A = arith.constant 0 : i32
    %broadcast_in_dim3A_3 = vector.broadcast %broadcast_in_dim3A : i32 to vector<16xi32>
    %swap3A = arith.constant 0 : index
    %swap3A_4 = tpu.vector_load %arg9[%swap3A] {strides = array<i32>} : memref<64xi32, #tpu.memory_space<vmem>>, vector<16xi32>,
    tpu.vector_store %arg9[%swap3A], %broadcast_in_dim3A_3 {strides = array<i32>} : memref<64xi32, #tpu.memory_space<vmem>>, vector<16xi32>,
    %swap3A_5 = arith.constant 16 : index
    %swap3A_6 = tpu.vector_load %arg9[%swap3A_5] {strides = array<i32>} : memref<64xi32, #tpu.memory_space<vmem>>, vector<16xi32>,
    tpu.vector_store %arg9[%swap3A_5], %broadcast_in_dim3A_3 {strides = array<i32>} : memref<64xi32, #tpu.memory_space<vmem>>, vector<16xi32>,
    %swap3A_7 = arith.constant 32 : index
    %swap3A_8 = tpu.vector_load %arg9[%swap3A_7] {strides = array<i32>} : memref<64xi32, #tpu.memory_space<vmem>>, vector<16xi32>,
    tpu.vector_store %arg9[%swap3A_7], %broadcast_in_dim3A_3 {strides = array<i32>} : memref<64xi32, #tpu.memory_space<vmem>>, vector<16xi32>,
    %swap3A_9 = arith.constant 48 : index
    %swap3A_10 = tpu.vector_load %arg9[%swap3A_9] {strides = array<i32>} : memref<64xi32, #tpu.memory_space<vmem>>, vector<16xi32>,
    tpu.vector_store %arg9[%swap3A_9], %broadcast_in_dim3A_3 {strides = array<i32>} : memref<64xi32, #tpu.memory_space<vmem>>, vector<16xi32>,
    %scan3A = arith.constant 0 : i32
    %scan3A_11 = arith.constant 0 : i32
    %scan3A_12 = arith.constant 4 : i32
    %scan3A_13 = arith.addi %scan3A_11, %scan3A_12 : i32
    %scan3A_14 = arith.constant 1 : i32
    scf.for %scan3A_103 = %scan3A_11 to %scan3A_13 step %scan3A_14  : i32 {
      %mul3A_104 = arith.constant 4096 : i32
      %mul3A_105 = arith.muli %scan3A_103, %mul3A_104 : i32
      %add3A_106 = arith.addi %mul3A_2, %mul3A_105 : i32
      "tpu.region"() ({
        %run_scoped3A = tpu.sem_alloc : memref<!tpu.dma_semaphore, #tpu.memory_space<semaphore_mem>>
        %dma_start3A = tpu.memref_slice %arg2[%add3A_106] : memref<262144xi32, #tpu.memory_space<hbm>> -> memref<4096xi32, #tpu.memory_space<hbm>>
        %dma_start3A_116 = tpu.memref_slice %arg2[%add3A_106] : memref<262144xi32, #tpu.memory_space<hbm>> -> memref<4096xi32, #tpu.memory_space<hbm>>
        tpu.enqueue_dma source(%dma_start3A_116 : memref<4096xi32, #tpu.memory_space<hbm>>) target(%arg6 : memref<4096xi32, #tpu.memory_space<vmem>>) target_semaphore(%run_scoped3A : memref<!tpu.dma_semaphore, #tpu.memory_space<semaphore_mem>>)
        %dma_wait3A = tpu.memref_slice %arg2[%add3A_106] : memref<262144xi32, #tpu.memory_space<hbm>> -> memref<4096xi32, #tpu.memory_space<hbm>>
        %dma_wait3A_117 = tpu.memref_slice %arg2[%add3A_106] : memref<262144xi32, #tpu.memory_space<hbm>> -> memref<4096xi32, #tpu.memory_space<hbm>>
        tpu.wait_dma2 semaphore(%run_scoped3A : memref<!tpu.dma_semaphore, #tpu.memory_space<semaphore_mem>>) src(%dma_wait3A_117 : memref<4096xi32, #tpu.memory_space<hbm>>) dst(%arg6 : memref<4096xi32, #tpu.memory_space<vmem>>)
        tpu.yield
      }) : () -> ()
      %mul3A_107 = arith.constant 4096 : i32
      %mul3A_108 = arith.muli %scan3A_103, %mul3A_107 : i32
      %add3A_109 = arith.addi %mul3A_2, %mul3A_108 : i32
      "tpu.region"() ({
        %run_scoped3A = tpu.sem_alloc : memref<!tpu.dma_semaphore, #tpu.memory_space<semaphore_mem>>
        %dma_start3A = tpu.memref_slice %arg3[%add3A_109] : memref<262144xi32, #tpu.memory_space<hbm>> -> memref<4096xi32, #tpu.memory_space<hbm>>
        %dma_start3A_116 = tpu.memref_slice %arg3[%add3A_109] : memref<262144xi32, #tpu.memory_space<hbm>> -> memref<4096xi32, #tpu.memory_space<hbm>>
        tpu.enqueue_dma source(%dma_start3A_116 : memref<4096xi32, #tpu.memory_space<hbm>>) target(%arg7 : memref<4096xi32, #tpu.memory_space<vmem>>) target_semaphore(%run_scoped3A : memref<!tpu.dma_semaphore, #tpu.memory_space<semaphore_mem>>)
        %dma_wait3A = tpu.memref_slice %arg3[%add3A_109] : memref<262144xi32, #tpu.memory_space<hbm>> -> memref<4096xi32, #tpu.memory_space<hbm>>
        %dma_wait3A_117 = tpu.memref_slice %arg3[%add3A_109] : memref<262144xi32, #tpu.memory_space<hbm>> -> memref<4096xi32, #tpu.memory_space<hbm>>
        tpu.wait_dma2 semaphore(%run_scoped3A : memref<!tpu.dma_semaphore, #tpu.memory_space<semaphore_mem>>) src(%dma_wait3A_117 : memref<4096xi32, #tpu.memory_space<hbm>>) dst(%arg7 : memref<4096xi32, #tpu.memory_space<vmem>>)
        tpu.yield
      }) : () -> ()
      %scan3A_110 = arith.constant 0 : i32
      %scan3A_111 = arith.constant 0 : i32
      %scan3A_112 = arith.constant 256 : i32
      %scan3A_113 = arith.addi %scan3A_111, %scan3A_112 : i32
      %scan3A_114 = arith.constant 1 : i32
      scf.for %scan3A_116 = %scan3A_111 to %scan3A_113 step %scan3A_114  : i32 {
        %mul3A_117 = arith.constant 16 : i32
        %mul3A_118 = arith.muli %scan3A_116, %mul3A_117 : i32
        %get3A_119 = arith.index_cast %mul3A_118 : i32 to index
        %get3A_120 = tpu.vector_load %arg6[%get3A_119] {strides = array<i32>} : memref<4096xi32, #tpu.memory_space<vmem>>, vector<16xi32>,
        %mul3A_121 = arith.constant 16 : i32
        %mul3A_122 = arith.muli %scan3A_116, %mul3A_121 : i32
        %get3A_123 = arith.index_cast %mul3A_122 : i32 to index
        %get3A_124 = tpu.vector_load %arg7[%get3A_123] {strides = array<i32>} : memref<4096xi32, #tpu.memory_space<vmem>>, vector<16xi32>,
        %mul3A_125 = arith.constant 64 : i32
        %mul3A_126 = vector.broadcast %mul3A_125 : i32 to vector<16xi32>
        %mul3A_127 = arith.muli %get3A_120, %mul3A_126 : vector<16xi32>
        %and3A = arith.constant 63 : i32
        %and3A_128 = vector.broadcast %and3A : i32 to vector<16xi32>
        %and3A_129 = arith.andi %get3A_124, %and3A_128 : vector<16xi32>
        %add3A_130 = arith.addi %mul3A_127, %and3A_129 : vector<16xi32>
        %sub3A_131 = vector.broadcast %mul3A_0 : i32 to vector<16xi32>
        %sub3A_132 = arith.subi %add3A_130, %sub3A_131 : vector<16xi32>
        %ge3A = arith.constant 0 : i32
        %ge3A_133 = vector.broadcast %ge3A : i32 to vector<16xi32>
        %ge3A_134 = arith.cmpi sge, %sub3A_132, %ge3A_133 : vector<16xi32>
        %lt3A = arith.constant 524288 : i32
        %lt3A_135 = vector.broadcast %lt3A : i32 to vector<16xi32>
        %lt3A_136 = arith.cmpi slt, %sub3A_132, %lt3A_135 : vector<16xi32>
        %and3A_137 = arith.andi %ge3A_134, %lt3A_136 : vector<16xi1>
        %shift_right_logical3A = arith.constant 13 : i32
        %shift_right_logical3A_138 = vector.broadcast %shift_right_logical3A : i32 to vector<16xi32>
        %shift_right_logical3A_139 = arith.shrui %sub3A_132, %shift_right_logical3A_138 : vector<16xi32>
        %jit3A = arith.constant 0 : i32
        %broadcast_in_dim3A_140 = vector.broadcast %jit3A : i32 to vector<16xi32>
        %select_n3A = arith.select %and3A_137, %shift_right_logical3A_139, %broadcast_in_dim3A_140 : vector<16xi1>, vector<16xi32>
        %unique3A, %unique3A_141 = tpu.scan_count mask(%and3A_137 : vector<16xi1>) value(%select_n3A : vector<16xi32>) : vector<16xi1>, vector<16xi32>
        %and3A_142 = arith.andi %unique3A, %and3A_137 : vector<16xi1>
        tpu.vector_store_idx %arg9[%select_n3A], %unique3A_141 masked %and3A_142 {add = true} : memref<64xi32, #tpu.memory_space<vmem>>[vector<16xi32>], vector<16xi32>, vector<16xi1>
      }
      %scan3A_115 = arith.constant 256 : i32
    }
    %scan3A_15 = arith.constant 4 : i32
    %get3A = arith.constant 0 : index
    %get3A_16 = tpu.vector_load %arg9[%get3A] {strides = array<i32>} : memref<64xi32, #tpu.memory_space<vmem>>, vector<16xi32>,
    %broadcast_in_dim3A_17 = arith.constant true
    %broadcast_in_dim3A_18 = vector.broadcast %broadcast_in_dim3A_17 : i1 to vector<16xi1>
    %masked_cumsum3A = tpu.scan <sum>, %get3A_16 masked %broadcast_in_dim3A_18 : vector<16xi32>, vector<16xi1> -> vector<16xi32>
    %sub3A = arith.subi %masked_cumsum3A, %get3A_16 : vector<16xi32>
    %add3A = arith.constant 0 : i32
    %add3A_19 = vector.broadcast %add3A : i32 to vector<16xi32>
    %add3A_20 = arith.addi %sub3A, %add3A_19 : vector<16xi32>
    %swap3A_21 = arith.constant 0 : index
    %swap3A_22 = tpu.vector_load %arg10[%swap3A_21] {strides = array<i32>} : memref<64xi32, #tpu.memory_space<vmem>>, vector<16xi32>,
    tpu.vector_store %arg10[%swap3A_21], %add3A_20 {strides = array<i32>} : memref<64xi32, #tpu.memory_space<vmem>>, vector<16xi32>,
    %swap3A_23 = arith.constant 0 : index
    %swap3A_24 = tpu.vector_load %arg11[%swap3A_23] {strides = array<i32>} : memref<64xi32, #tpu.memory_space<vmem>>, vector<16xi32>,
    tpu.vector_store %arg11[%swap3A_23], %add3A_20 {strides = array<i32>} : memref<64xi32, #tpu.memory_space<vmem>>, vector<16xi32>,
    %reduce_sum3A = arith.constant true
    %reduce_sum3A_25 = vector.broadcast %reduce_sum3A : i1 to vector<16xi1>
    %reduce_sum3A_26 = tpu.scan <sum>, %get3A_16 masked %reduce_sum3A_25 : vector<16xi32>, vector<16xi1> -> vector<16xi32>
    %reduce_sum3A_27 = vector.extract %reduce_sum3A_26[15] : i32 from vector<16xi32>
    %add3A_28 = arith.constant 0 : i32
    %add3A_29 = arith.addi %add3A_28, %reduce_sum3A_27 : i32
    %get3A_30 = arith.constant 16 : index
    %get3A_31 = tpu.vector_load %arg9[%get3A_30] {strides = array<i32>} : memref<64xi32, #tpu.memory_space<vmem>>, vector<16xi32>,
    %broadcast_in_dim3A_32 = arith.constant true
    %broadcast_in_dim3A_33 = vector.broadcast %broadcast_in_dim3A_32 : i1 to vector<16xi1>
    %masked_cumsum3A_34 = tpu.scan <sum>, %get3A_31 masked %broadcast_in_dim3A_33 : vector<16xi32>, vector<16xi1> -> vector<16xi32>
    %sub3A_35 = arith.subi %masked_cumsum3A_34, %get3A_31 : vector<16xi32>
    %add3A_36 = vector.broadcast %add3A_29 : i32 to vector<16xi32>
    %add3A_37 = arith.addi %sub3A_35, %add3A_36 : vector<16xi32>
    %swap3A_38 = arith.constant 16 : index
    %swap3A_39 = tpu.vector_load %arg10[%swap3A_38] {strides = array<i32>} : memref<64xi32, #tpu.memory_space<vmem>>, vector<16xi32>,
    tpu.vector_store %arg10[%swap3A_38], %add3A_37 {strides = array<i32>} : memref<64xi32, #tpu.memory_space<vmem>>, vector<16xi32>,
    %swap3A_40 = arith.constant 16 : index
    %swap3A_41 = tpu.vector_load %arg11[%swap3A_40] {strides = array<i32>} : memref<64xi32, #tpu.memory_space<vmem>>, vector<16xi32>,
    tpu.vector_store %arg11[%swap3A_40], %add3A_37 {strides = array<i32>} : memref<64xi32, #tpu.memory_space<vmem>>, vector<16xi32>,
    %reduce_sum3A_42 = arith.constant true
    %reduce_sum3A_43 = vector.broadcast %reduce_sum3A_42 : i1 to vector<16xi1>
    %reduce_sum3A_44 = tpu.scan <sum>, %get3A_31 masked %reduce_sum3A_43 : vector<16xi32>, vector<16xi1> -> vector<16xi32>
    %reduce_sum3A_45 = vector.extract %reduce_sum3A_44[15] : i32 from vector<16xi32>
    %add3A_46 = arith.addi %add3A_29, %reduce_sum3A_45 : i32
    %get3A_47 = arith.constant 32 : index
    %get3A_48 = tpu.vector_load %arg9[%get3A_47] {strides = array<i32>} : memref<64xi32, #tpu.memory_space<vmem>>, vector<16xi32>,
    %broadcast_in_dim3A_49 = arith.constant true
    %broadcast_in_dim3A_50 = vector.broadcast %broadcast_in_dim3A_49 : i1 to vector<16xi1>
    %masked_cumsum3A_51 = tpu.scan <sum>, %get3A_48 masked %broadcast_in_dim3A_50 : vector<16xi32>, vector<16xi1> -> vector<16xi32>
    %sub3A_52 = arith.subi %masked_cumsum3A_51, %get3A_48 : vector<16xi32>
    %add3A_53 = vector.broadcast %add3A_46 : i32 to vector<16xi32>
    %add3A_54 = arith.addi %sub3A_52, %add3A_53 : vector<16xi32>
    %swap3A_55 = arith.constant 32 : index
    %swap3A_56 = tpu.vector_load %arg10[%swap3A_55] {strides = array<i32>} : memref<64xi32, #tpu.memory_space<vmem>>, vector<16xi32>,
    tpu.vector_store %arg10[%swap3A_55], %add3A_54 {strides = array<i32>} : memref<64xi32, #tpu.memory_space<vmem>>, vector<16xi32>,
    %swap3A_57 = arith.constant 32 : index
    %swap3A_58 = tpu.vector_load %arg11[%swap3A_57] {strides = array<i32>} : memref<64xi32, #tpu.memory_space<vmem>>, vector<16xi32>,
    tpu.vector_store %arg11[%swap3A_57], %add3A_54 {strides = array<i32>} : memref<64xi32, #tpu.memory_space<vmem>>, vector<16xi32>,
    %reduce_sum3A_59 = arith.constant true
    %reduce_sum3A_60 = vector.broadcast %reduce_sum3A_59 : i1 to vector<16xi1>
    %reduce_sum3A_61 = tpu.scan <sum>, %get3A_48 masked %reduce_sum3A_60 : vector<16xi32>, vector<16xi1> -> vector<16xi32>
    %reduce_sum3A_62 = vector.extract %reduce_sum3A_61[15] : i32 from vector<16xi32>
    %add3A_63 = arith.addi %add3A_46, %reduce_sum3A_62 : i32
    %get3A_64 = arith.constant 48 : index
    %get3A_65 = tpu.vector_load %arg9[%get3A_64] {strides = array<i32>} : memref<64xi32, #tpu.memory_space<vmem>>, vector<16xi32>,
    %broadcast_in_dim3A_66 = arith.constant true
    %broadcast_in_dim3A_67 = vector.broadcast %broadcast_in_dim3A_66 : i1 to vector<16xi1>
    %masked_cumsum3A_68 = tpu.scan <sum>, %get3A_65 masked %broadcast_in_dim3A_67 : vector<16xi32>, vector<16xi1> -> vector<16xi32>
    %sub3A_69 = arith.subi %masked_cumsum3A_68, %get3A_65 : vector<16xi32>
    %add3A_70 = vector.broadcast %add3A_63 : i32 to vector<16xi32>
    %add3A_71 = arith.addi %sub3A_69, %add3A_70 : vector<16xi32>
    %swap3A_72 = arith.constant 48 : index
    %swap3A_73 = tpu.vector_load %arg10[%swap3A_72] {strides = array<i32>} : memref<64xi32, #tpu.memory_space<vmem>>, vector<16xi32>,
    tpu.vector_store %arg10[%swap3A_72], %add3A_71 {strides = array<i32>} : memref<64xi32, #tpu.memory_space<vmem>>, vector<16xi32>,
    %swap3A_74 = arith.constant 48 : index
    %swap3A_75 = tpu.vector_load %arg11[%swap3A_74] {strides = array<i32>} : memref<64xi32, #tpu.memory_space<vmem>>, vector<16xi32>,
    tpu.vector_store %arg11[%swap3A_74], %add3A_71 {strides = array<i32>} : memref<64xi32, #tpu.memory_space<vmem>>, vector<16xi32>,
    %reduce_sum3A_76 = arith.constant true
    %reduce_sum3A_77 = vector.broadcast %reduce_sum3A_76 : i1 to vector<16xi1>
    %reduce_sum3A_78 = tpu.scan <sum>, %get3A_65 masked %reduce_sum3A_77 : vector<16xi32>, vector<16xi1> -> vector<16xi32>
    %reduce_sum3A_79 = vector.extract %reduce_sum3A_78[15] : i32 from vector<16xi32>
    %add3A_80 = arith.addi %add3A_63, %reduce_sum3A_79 : i32
    %scan3A_81 = arith.constant 0 : i32
    %scan3A_82 = arith.constant 0 : i32
    %scan3A_83 = arith.constant 4 : i32
    %scan3A_84 = arith.addi %scan3A_82, %scan3A_83 : i32
    %scan3A_85 = arith.constant 1 : i32
    scf.for %scan3A_103 = %scan3A_82 to %scan3A_84 step %scan3A_85  : i32 {
      %mul3A_104 = arith.constant 4096 : i32
      %mul3A_105 = arith.muli %scan3A_103, %mul3A_104 : i32
      %add3A_106 = arith.addi %mul3A_2, %mul3A_105 : i32
      "tpu.region"() ({
        %run_scoped3A = tpu.sem_alloc : memref<!tpu.dma_semaphore, #tpu.memory_space<semaphore_mem>>
        %dma_start3A = tpu.memref_slice %arg2[%add3A_106] : memref<262144xi32, #tpu.memory_space<hbm>> -> memref<4096xi32, #tpu.memory_space<hbm>>
        %dma_start3A_116 = tpu.memref_slice %arg2[%add3A_106] : memref<262144xi32, #tpu.memory_space<hbm>> -> memref<4096xi32, #tpu.memory_space<hbm>>
        tpu.enqueue_dma source(%dma_start3A_116 : memref<4096xi32, #tpu.memory_space<hbm>>) target(%arg6 : memref<4096xi32, #tpu.memory_space<vmem>>) target_semaphore(%run_scoped3A : memref<!tpu.dma_semaphore, #tpu.memory_space<semaphore_mem>>)
        %dma_wait3A = tpu.memref_slice %arg2[%add3A_106] : memref<262144xi32, #tpu.memory_space<hbm>> -> memref<4096xi32, #tpu.memory_space<hbm>>
        %dma_wait3A_117 = tpu.memref_slice %arg2[%add3A_106] : memref<262144xi32, #tpu.memory_space<hbm>> -> memref<4096xi32, #tpu.memory_space<hbm>>
        tpu.wait_dma2 semaphore(%run_scoped3A : memref<!tpu.dma_semaphore, #tpu.memory_space<semaphore_mem>>) src(%dma_wait3A_117 : memref<4096xi32, #tpu.memory_space<hbm>>) dst(%arg6 : memref<4096xi32, #tpu.memory_space<vmem>>)
        tpu.yield
      }) : () -> ()
      %mul3A_107 = arith.constant 4096 : i32
      %mul3A_108 = arith.muli %scan3A_103, %mul3A_107 : i32
      %add3A_109 = arith.addi %mul3A_2, %mul3A_108 : i32
      "tpu.region"() ({
        %run_scoped3A = tpu.sem_alloc : memref<!tpu.dma_semaphore, #tpu.memory_space<semaphore_mem>>
        %dma_start3A = tpu.memref_slice %arg3[%add3A_109] : memref<262144xi32, #tpu.memory_space<hbm>> -> memref<4096xi32, #tpu.memory_space<hbm>>
        %dma_start3A_116 = tpu.memref_slice %arg3[%add3A_109] : memref<262144xi32, #tpu.memory_space<hbm>> -> memref<4096xi32, #tpu.memory_space<hbm>>
        tpu.enqueue_dma source(%dma_start3A_116 : memref<4096xi32, #tpu.memory_space<hbm>>) target(%arg7 : memref<4096xi32, #tpu.memory_space<vmem>>) target_semaphore(%run_scoped3A : memref<!tpu.dma_semaphore, #tpu.memory_space<semaphore_mem>>)
        %dma_wait3A = tpu.memref_slice %arg3[%add3A_109] : memref<262144xi32, #tpu.memory_space<hbm>> -> memref<4096xi32, #tpu.memory_space<hbm>>
        %dma_wait3A_117 = tpu.memref_slice %arg3[%add3A_109] : memref<262144xi32, #tpu.memory_space<hbm>> -> memref<4096xi32, #tpu.memory_space<hbm>>
        tpu.wait_dma2 semaphore(%run_scoped3A : memref<!tpu.dma_semaphore, #tpu.memory_space<semaphore_mem>>) src(%dma_wait3A_117 : memref<4096xi32, #tpu.memory_space<hbm>>) dst(%arg7 : memref<4096xi32, #tpu.memory_space<vmem>>)
        tpu.yield
      }) : () -> ()
      %scan3A_110 = arith.constant 0 : i32
      %scan3A_111 = arith.constant 0 : i32
      %scan3A_112 = arith.constant 256 : i32
      %scan3A_113 = arith.addi %scan3A_111, %scan3A_112 : i32
      %scan3A_114 = arith.constant 1 : i32
      scf.for %scan3A_116 = %scan3A_111 to %scan3A_113 step %scan3A_114  : i32 {
        %mul3A_117 = arith.constant 16 : i32
        %mul3A_118 = arith.muli %scan3A_116, %mul3A_117 : i32
        %get3A_119 = arith.index_cast %mul3A_118 : i32 to index
        %get3A_120 = tpu.vector_load %arg6[%get3A_119] {strides = array<i32>} : memref<4096xi32, #tpu.memory_space<vmem>>, vector<16xi32>,
        %mul3A_121 = arith.constant 16 : i32
        %mul3A_122 = arith.muli %scan3A_116, %mul3A_121 : i32
        %get3A_123 = arith.index_cast %mul3A_122 : i32 to index
        %get3A_124 = tpu.vector_load %arg7[%get3A_123] {strides = array<i32>} : memref<4096xi32, #tpu.memory_space<vmem>>, vector<16xi32>,
        %mul3A_125 = arith.constant 64 : i32
        %mul3A_126 = vector.broadcast %mul3A_125 : i32 to vector<16xi32>
        %mul3A_127 = arith.muli %get3A_120, %mul3A_126 : vector<16xi32>
        %and3A = arith.constant 63 : i32
        %and3A_128 = vector.broadcast %and3A : i32 to vector<16xi32>
        %and3A_129 = arith.andi %get3A_124, %and3A_128 : vector<16xi32>
        %add3A_130 = arith.addi %mul3A_127, %and3A_129 : vector<16xi32>
        %sub3A_131 = vector.broadcast %mul3A_0 : i32 to vector<16xi32>
        %sub3A_132 = arith.subi %add3A_130, %sub3A_131 : vector<16xi32>
        %ge3A = arith.constant 0 : i32
        %ge3A_133 = vector.broadcast %ge3A : i32 to vector<16xi32>
        %ge3A_134 = arith.cmpi sge, %sub3A_132, %ge3A_133 : vector<16xi32>
        %lt3A = arith.constant 524288 : i32
        %lt3A_135 = vector.broadcast %lt3A : i32 to vector<16xi32>
        %lt3A_136 = arith.cmpi slt, %sub3A_132, %lt3A_135 : vector<16xi32>
        %and3A_137 = arith.andi %ge3A_134, %lt3A_136 : vector<16xi1>
        %shift_right_logical3A = arith.constant 13 : i32
        %shift_right_logical3A_138 = vector.broadcast %shift_right_logical3A : i32 to vector<16xi32>
        %shift_right_logical3A_139 = arith.shrui %sub3A_132, %shift_right_logical3A_138 : vector<16xi32>
        %jit3A = arith.constant 0 : i32
        %broadcast_in_dim3A_140 = vector.broadcast %jit3A : i32 to vector<16xi32>
        %select_n3A = arith.select %and3A_137, %shift_right_logical3A_139, %broadcast_in_dim3A_140 : vector<16xi1>, vector<16xi32>
        %unique3A, %unique3A_141 = tpu.scan_count mask(%and3A_137 : vector<16xi1>) value(%select_n3A : vector<16xi32>) : vector<16xi1>, vector<16xi32>
        %gather3A = tpu.vector_load_idx %arg11[%select_n3A] masked %and3A_137 : memref<64xi32, #tpu.memory_space<vmem>>[vector<16xi32>], vector<16xi32>, vector<16xi1>
        %add3A_142 = arith.addi %gather3A, %unique3A_141 : vector<16xi32>
        %sub3A_143 = arith.constant 1 : i32
        %sub3A_144 = vector.broadcast %sub3A_143 : i32 to vector<16xi32>
        %sub3A_145 = arith.subi %add3A_142, %sub3A_144 : vector<16xi32>
        %and3A_146 = arith.constant 8191 : i32
        %and3A_147 = vector.broadcast %and3A_146 : i32 to vector<16xi32>
        %and3A_148 = arith.andi %sub3A_132, %and3A_147 : vector<16xi32>
        %mul3A_149 = arith.constant 4096 : i32
        %mul3A_150 = arith.muli %scan3A_103, %mul3A_149 : i32
        %add3A_151 = arith.addi %mul3A_2, %mul3A_150 : i32
        %mul3A_152 = arith.constant 16 : i32
        %mul3A_153 = arith.muli %scan3A_116, %mul3A_152 : i32
        %add3A_154 = arith.addi %add3A_151, %mul3A_153 : i32
        %add3A_155 = vector.broadcast %add3A_154 : i32 to vector<16xi32>
        %add3A_156 = arith.addi %add3A_155, %iota3A : vector<16xi32>
        %shift_left3A = arith.constant 18 : i32
        %shift_left3A_157 = vector.broadcast %shift_left3A : i32 to vector<16xi32>
        %shift_left3A_158 = arith.shli %and3A_148, %shift_left3A_157 : vector<16xi32>
        %or3A = arith.ori %shift_left3A_158, %add3A_156 : vector<16xi32>
        tpu.vector_store_idx %arg8[%sub3A_145], %or3A masked %and3A_137 : memref<16384xi32, #tpu.memory_space<vmem>>[vector<16xi32>], vector<16xi32>, vector<16xi1>
        %and3A_159 = arith.andi %unique3A, %and3A_137 : vector<16xi1>
        tpu.vector_store_idx %arg11[%select_n3A], %unique3A_141 masked %and3A_159 {add = true} : memref<64xi32, #tpu.memory_space<vmem>>[vector<16xi32>], vector<16xi32>, vector<16xi1>
      }
      %scan3A_115 = arith.constant 256 : i32
    }
    %scan3A_86 = arith.constant 4 : i32
    %broadcast_in_dim3A_87 = arith.constant 0.000000e+00 : f32
    %broadcast_in_dim3A_88 = vector.broadcast %broadcast_in_dim3A_87 : f32 to vector<16xf32>
    %scan3A_89 = arith.constant 0 : i32
    %scan3A_90 = arith.constant 0 : i32
    %scan3A_91 = arith.constant 64 : i32
    %scan3A_92 = arith.addi %scan3A_90, %scan3A_91 : i32
    %scan3A_93 = arith.constant 1 : i32
    scf.for %scan3A_103 = %scan3A_90 to %scan3A_92 step %scan3A_93  : i32 {
      %swap3A_104 = arith.index_cast %scan3A_103 : i32 to index
      %swap3A_105 = arith.constant 0 : index
      %swap3A_106 = tpu.vector_load %arg15[%swap3A_104, %swap3A_105] {strides = array<i32>} : memref<64x128xf32, #tpu.memory_space<vmem>>, vector<16xf32>,
      tpu.vector_store %arg15[%swap3A_104, %swap3A_105], %broadcast_in_dim3A_88 {strides = array<i32>} : memref<64x128xf32, #tpu.memory_space<vmem>>, vector<16xf32>,
      %swap3A_107 = arith.index_cast %scan3A_103 : i32 to index
      %swap3A_108 = arith.constant 16 : index
      %swap3A_109 = tpu.vector_load %arg15[%swap3A_107, %swap3A_108] {strides = array<i32>} : memref<64x128xf32, #tpu.memory_space<vmem>>, vector<16xf32>,
      tpu.vector_store %arg15[%swap3A_107, %swap3A_108], %broadcast_in_dim3A_88 {strides = array<i32>} : memref<64x128xf32, #tpu.memory_space<vmem>>, vector<16xf32>,
      %swap3A_110 = arith.index_cast %scan3A_103 : i32 to index
      %swap3A_111 = arith.constant 32 : index
      %swap3A_112 = tpu.vector_load %arg15[%swap3A_110, %swap3A_111] {strides = array<i32>} : memref<64x128xf32, #tpu.memory_space<vmem>>, vector<16xf32>,
      tpu.vector_store %arg15[%swap3A_110, %swap3A_111], %broadcast_in_dim3A_88 {strides = array<i32>} : memref<64x128xf32, #tpu.memory_space<vmem>>, vector<16xf32>,
      %swap3A_113 = arith.index_cast %scan3A_103 : i32 to index
      %swap3A_114 = arith.constant 48 : index
      %swap3A_115 = tpu.vector_load %arg15[%swap3A_113, %swap3A_114] {strides = array<i32>} : memref<64x128xf32, #tpu.memory_space<vmem>>, vector<16xf32>,
      tpu.vector_store %arg15[%swap3A_113, %swap3A_114], %broadcast_in_dim3A_88 {strides = array<i32>} : memref<64x128xf32, #tpu.memory_space<vmem>>, vector<16xf32>,
      %swap3A_116 = arith.index_cast %scan3A_103 : i32 to index
      %swap3A_117 = arith.constant 64 : index
      %swap3A_118 = tpu.vector_load %arg15[%swap3A_116, %swap3A_117] {strides = array<i32>} : memref<64x128xf32, #tpu.memory_space<vmem>>, vector<16xf32>,
      tpu.vector_store %arg15[%swap3A_116, %swap3A_117], %broadcast_in_dim3A_88 {strides = array<i32>} : memref<64x128xf32, #tpu.memory_space<vmem>>, vector<16xf32>,
      %swap3A_119 = arith.index_cast %scan3A_103 : i32 to index
      %swap3A_120 = arith.constant 80 : index
      %swap3A_121 = tpu.vector_load %arg15[%swap3A_119, %swap3A_120] {strides = array<i32>} : memref<64x128xf32, #tpu.memory_space<vmem>>, vector<16xf32>,
      tpu.vector_store %arg15[%swap3A_119, %swap3A_120], %broadcast_in_dim3A_88 {strides = array<i32>} : memref<64x128xf32, #tpu.memory_space<vmem>>, vector<16xf32>,
      %swap3A_122 = arith.index_cast %scan3A_103 : i32 to index
      %swap3A_123 = arith.constant 96 : index
      %swap3A_124 = tpu.vector_load %arg15[%swap3A_122, %swap3A_123] {strides = array<i32>} : memref<64x128xf32, #tpu.memory_space<vmem>>, vector<16xf32>,
      tpu.vector_store %arg15[%swap3A_122, %swap3A_123], %broadcast_in_dim3A_88 {strides = array<i32>} : memref<64x128xf32, #tpu.memory_space<vmem>>, vector<16xf32>,
      %swap3A_125 = arith.index_cast %scan3A_103 : i32 to index
      %swap3A_126 = arith.constant 112 : index
      %swap3A_127 = tpu.vector_load %arg15[%swap3A_125, %swap3A_126] {strides = array<i32>} : memref<64x128xf32, #tpu.memory_space<vmem>>, vector<16xf32>,
      tpu.vector_store %arg15[%swap3A_125, %swap3A_126], %broadcast_in_dim3A_88 {strides = array<i32>} : memref<64x128xf32, #tpu.memory_space<vmem>>, vector<16xf32>,
    }
    %scan3A_94 = arith.constant 64 : i32
    %mul3A_95 = arith.constant 512 : i32
    %mul3A_96 = arith.muli %arg1, %mul3A_95 : i32
    %scan3A_97 = arith.constant 0 : i32
    %scan3A_98 = arith.constant 0 : i32
    %scan3A_99 = arith.constant 64 : i32
    %scan3A_100 = arith.addi %scan3A_98, %scan3A_99 : i32
    %scan3A_101 = arith.constant 1 : i32
    scf.for %scan3A_103 = %scan3A_98 to %scan3A_100 step %scan3A_101  : i32 {
      %mul3A_104 = arith.constant 8192 : i32
      %mul3A_105 = arith.muli %scan3A_103, %mul3A_104 : i32
      %add3A_106 = arith.addi %mul3A_0, %mul3A_105 : i32
      %add3A_107 = arith.constant 0 : i32
      %add3A_108 = arith.addi %mul3A_96, %add3A_107 : i32
      "tpu.region"() ({
        %run_scoped3A = tpu.sem_alloc : memref<!tpu.dma_semaphore, #tpu.memory_space<semaphore_mem>>
        %dma_start3A = arith.constant 0 : i32
        %dma_start3A_161 = tpu.memref_slice %arg16[%add3A_108, %dma_start3A] : memref<8208x128xf32, #tpu.memory_space<vmem_shared>> -> memref<64x128xf32, #tpu.memory_space<vmem_shared>>
        %dma_start3A_162 = arith.constant 0 : i32
        %dma_start3A_163 = tpu.memref_slice %arg16[%add3A_108, %dma_start3A_162] : memref<8208x128xf32, #tpu.memory_space<vmem_shared>> -> memref<64x128xf32, #tpu.memory_space<vmem_shared>>
        tpu.enqueue_dma source(%arg15 : memref<64x128xf32, #tpu.memory_space<vmem>>) target(%dma_start3A_163 : memref<64x128xf32, #tpu.memory_space<vmem_shared>>) target_semaphore(%run_scoped3A : memref<!tpu.dma_semaphore, #tpu.memory_space<semaphore_mem>>)
        %dma_wait3A = arith.constant 0 : i32
        %dma_wait3A_164 = tpu.memref_slice %arg16[%add3A_108, %dma_wait3A] : memref<8208x128xf32, #tpu.memory_space<vmem_shared>> -> memref<64x128xf32, #tpu.memory_space<vmem_shared>>
        %dma_wait3A_165 = arith.constant 0 : i32
        %dma_wait3A_166 = tpu.memref_slice %arg16[%add3A_108, %dma_wait3A_165] : memref<8208x128xf32, #tpu.memory_space<vmem_shared>> -> memref<64x128xf32, #tpu.memory_space<vmem_shared>>
        tpu.wait_dma2 semaphore(%run_scoped3A : memref<!tpu.dma_semaphore, #tpu.memory_space<semaphore_mem>>) src(%arg15 : memref<64x128xf32, #tpu.memory_space<vmem>>) dst(%dma_wait3A_166 : memref<64x128xf32, #tpu.memory_space<vmem_shared>>)
        tpu.yield
      }) : () -> ()
      %add3A_109 = arith.constant 64 : i32
      %add3A_110 = arith.addi %mul3A_96, %add3A_109 : i32
      "tpu.region"() ({
        %run_scoped3A = tpu.sem_alloc : memref<!tpu.dma_semaphore, #tpu.memory_space<semaphore_mem>>
        %dma_start3A = arith.constant 0 : i32
        %dma_start3A_161 = tpu.memref_slice %arg16[%add3A_110, %dma_start3A] : memref<8208x128xf32, #tpu.memory_space<vmem_shared>> -> memref<64x128xf32, #tpu.memory_space<vmem_shared>>
        %dma_start3A_162 = arith.constant 0 : i32
        %dma_start3A_163 = tpu.memref_slice %arg16[%add3A_110, %dma_start3A_162] : memref<8208x128xf32, #tpu.memory_space<vmem_shared>> -> memref<64x128xf32, #tpu.memory_space<vmem_shared>>
        tpu.enqueue_dma source(%arg15 : memref<64x128xf32, #tpu.memory_space<vmem>>) target(%dma_start3A_163 : memref<64x128xf32, #tpu.memory_space<vmem_shared>>) target_semaphore(%run_scoped3A : memref<!tpu.dma_semaphore, #tpu.memory_space<semaphore_mem>>)
        %dma_wait3A = arith.constant 0 : i32
        %dma_wait3A_164 = tpu.memref_slice %arg16[%add3A_110, %dma_wait3A] : memref<8208x128xf32, #tpu.memory_space<vmem_shared>> -> memref<64x128xf32, #tpu.memory_space<vmem_shared>>
        %dma_wait3A_165 = arith.constant 0 : i32
        %dma_wait3A_166 = tpu.memref_slice %arg16[%add3A_110, %dma_wait3A_165] : memref<8208x128xf32, #tpu.memory_space<vmem_shared>> -> memref<64x128xf32, #tpu.memory_space<vmem_shared>>
        tpu.wait_dma2 semaphore(%run_scoped3A : memref<!tpu.dma_semaphore, #tpu.memory_space<semaphore_mem>>) src(%arg15 : memref<64x128xf32, #tpu.memory_space<vmem>>) dst(%dma_wait3A_166 : memref<64x128xf32, #tpu.memory_space<vmem_shared>>)
        tpu.yield
      }) : () -> ()
      %add3A_111 = arith.constant 128 : i32
      %add3A_112 = arith.addi %mul3A_96, %add3A_111 : i32
      "tpu.region"() ({
        %run_scoped3A = tpu.sem_alloc : memref<!tpu.dma_semaphore, #tpu.memory_space<semaphore_mem>>
        %dma_start3A = arith.constant 0 : i32
        %dma_start3A_161 = tpu.memref_slice %arg16[%add3A_112, %dma_start3A] : memref<8208x128xf32, #tpu.memory_space<vmem_shared>> -> memref<64x128xf32, #tpu.memory_space<vmem_shared>>
        %dma_start3A_162 = arith.constant 0 : i32
        %dma_start3A_163 = tpu.memref_slice %arg16[%add3A_112, %dma_start3A_162] : memref<8208x128xf32, #tpu.memory_space<vmem_shared>> -> memref<64x128xf32, #tpu.memory_space<vmem_shared>>
        tpu.enqueue_dma source(%arg15 : memref<64x128xf32, #tpu.memory_space<vmem>>) target(%dma_start3A_163 : memref<64x128xf32, #tpu.memory_space<vmem_shared>>) target_semaphore(%run_scoped3A : memref<!tpu.dma_semaphore, #tpu.memory_space<semaphore_mem>>)
        %dma_wait3A = arith.constant 0 : i32
        %dma_wait3A_164 = tpu.memref_slice %arg16[%add3A_112, %dma_wait3A] : memref<8208x128xf32, #tpu.memory_space<vmem_shared>> -> memref<64x128xf32, #tpu.memory_space<vmem_shared>>
        %dma_wait3A_165 = arith.constant 0 : i32
        %dma_wait3A_166 = tpu.memref_slice %arg16[%add3A_112, %dma_wait3A_165] : memref<8208x128xf32, #tpu.memory_space<vmem_shared>> -> memref<64x128xf32, #tpu.memory_space<vmem_shared>>
        tpu.wait_dma2 semaphore(%run_scoped3A : memref<!tpu.dma_semaphore, #tpu.memory_space<semaphore_mem>>) src(%arg15 : memref<64x128xf32, #tpu.memory_space<vmem>>) dst(%dma_wait3A_166 : memref<64x128xf32, #tpu.memory_space<vmem_shared>>)
        tpu.yield
      }) : () -> ()
      %add3A_113 = arith.constant 192 : i32
      %add3A_114 = arith.addi %mul3A_96, %add3A_113 : i32
      "tpu.region"() ({
        %run_scoped3A = tpu.sem_alloc : memref<!tpu.dma_semaphore, #tpu.memory_space<semaphore_mem>>
        %dma_start3A = arith.constant 0 : i32
        %dma_start3A_161 = tpu.memref_slice %arg16[%add3A_114, %dma_start3A] : memref<8208x128xf32, #tpu.memory_space<vmem_shared>> -> memref<64x128xf32, #tpu.memory_space<vmem_shared>>
        %dma_start3A_162 = arith.constant 0 : i32
        %dma_start3A_163 = tpu.memref_slice %arg16[%add3A_114, %dma_start3A_162] : memref<8208x128xf32, #tpu.memory_space<vmem_shared>> -> memref<64x128xf32, #tpu.memory_space<vmem_shared>>
        tpu.enqueue_dma source(%arg15 : memref<64x128xf32, #tpu.memory_space<vmem>>) target(%dma_start3A_163 : memref<64x128xf32, #tpu.memory_space<vmem_shared>>) target_semaphore(%run_scoped3A : memref<!tpu.dma_semaphore, #tpu.memory_space<semaphore_mem>>)
        %dma_wait3A = arith.constant 0 : i32
        %dma_wait3A_164 = tpu.memref_slice %arg16[%add3A_114, %dma_wait3A] : memref<8208x128xf32, #tpu.memory_space<vmem_shared>> -> memref<64x128xf32, #tpu.memory_space<vmem_shared>>
        %dma_wait3A_165 = arith.constant 0 : i32
        %dma_wait3A_166 = tpu.memref_slice %arg16[%add3A_114, %dma_wait3A_165] : memref<8208x128xf32, #tpu.memory_space<vmem_shared>> -> memref<64x128xf32, #tpu.memory_space<vmem_shared>>
        tpu.wait_dma2 semaphore(%run_scoped3A : memref<!tpu.dma_semaphore, #tpu.memory_space<semaphore_mem>>) src(%arg15 : memref<64x128xf32, #tpu.memory_space<vmem>>) dst(%dma_wait3A_166 : memref<64x128xf32, #tpu.memory_space<vmem_shared>>)
        tpu.yield
      }) : () -> ()
      %add3A_115 = arith.constant 256 : i32
      %add3A_116 = arith.addi %mul3A_96, %add3A_115 : i32
      "tpu.region"() ({
        %run_scoped3A = tpu.sem_alloc : memref<!tpu.dma_semaphore, #tpu.memory_space<semaphore_mem>>
        %dma_start3A = arith.constant 0 : i32
        %dma_start3A_161 = tpu.memref_slice %arg16[%add3A_116, %dma_start3A] : memref<8208x128xf32, #tpu.memory_space<vmem_shared>> -> memref<64x128xf32, #tpu.memory_space<vmem_shared>>
        %dma_start3A_162 = arith.constant 0 : i32
        %dma_start3A_163 = tpu.memref_slice %arg16[%add3A_116, %dma_start3A_162] : memref<8208x128xf32, #tpu.memory_space<vmem_shared>> -> memref<64x128xf32, #tpu.memory_space<vmem_shared>>
        tpu.enqueue_dma source(%arg15 : memref<64x128xf32, #tpu.memory_space<vmem>>) target(%dma_start3A_163 : memref<64x128xf32, #tpu.memory_space<vmem_shared>>) target_semaphore(%run_scoped3A : memref<!tpu.dma_semaphore, #tpu.memory_space<semaphore_mem>>)
        %dma_wait3A = arith.constant 0 : i32
        %dma_wait3A_164 = tpu.memref_slice %arg16[%add3A_116, %dma_wait3A] : memref<8208x128xf32, #tpu.memory_space<vmem_shared>> -> memref<64x128xf32, #tpu.memory_space<vmem_shared>>
        %dma_wait3A_165 = arith.constant 0 : i32
        %dma_wait3A_166 = tpu.memref_slice %arg16[%add3A_116, %dma_wait3A_165] : memref<8208x128xf32, #tpu.memory_space<vmem_shared>> -> memref<64x128xf32, #tpu.memory_space<vmem_shared>>
        tpu.wait_dma2 semaphore(%run_scoped3A : memref<!tpu.dma_semaphore, #tpu.memory_space<semaphore_mem>>) src(%arg15 : memref<64x128xf32, #tpu.memory_space<vmem>>) dst(%dma_wait3A_166 : memref<64x128xf32, #tpu.memory_space<vmem_shared>>)
        tpu.yield
      }) : () -> ()
      %add3A_117 = arith.constant 320 : i32
      %add3A_118 = arith.addi %mul3A_96, %add3A_117 : i32
      "tpu.region"() ({
        %run_scoped3A = tpu.sem_alloc : memref<!tpu.dma_semaphore, #tpu.memory_space<semaphore_mem>>
        %dma_start3A = arith.constant 0 : i32
        %dma_start3A_161 = tpu.memref_slice %arg16[%add3A_118, %dma_start3A] : memref<8208x128xf32, #tpu.memory_space<vmem_shared>> -> memref<64x128xf32, #tpu.memory_space<vmem_shared>>
        %dma_start3A_162 = arith.constant 0 : i32
        %dma_start3A_163 = tpu.memref_slice %arg16[%add3A_118, %dma_start3A_162] : memref<8208x128xf32, #tpu.memory_space<vmem_shared>> -> memref<64x128xf32, #tpu.memory_space<vmem_shared>>
        tpu.enqueue_dma source(%arg15 : memref<64x128xf32, #tpu.memory_space<vmem>>) target(%dma_start3A_163 : memref<64x128xf32, #tpu.memory_space<vmem_shared>>) target_semaphore(%run_scoped3A : memref<!tpu.dma_semaphore, #tpu.memory_space<semaphore_mem>>)
        %dma_wait3A = arith.constant 0 : i32
        %dma_wait3A_164 = tpu.memref_slice %arg16[%add3A_118, %dma_wait3A] : memref<8208x128xf32, #tpu.memory_space<vmem_shared>> -> memref<64x128xf32, #tpu.memory_space<vmem_shared>>
        %dma_wait3A_165 = arith.constant 0 : i32
        %dma_wait3A_166 = tpu.memref_slice %arg16[%add3A_118, %dma_wait3A_165] : memref<8208x128xf32, #tpu.memory_space<vmem_shared>> -> memref<64x128xf32, #tpu.memory_space<vmem_shared>>
        tpu.wait_dma2 semaphore(%run_scoped3A : memref<!tpu.dma_semaphore, #tpu.memory_space<semaphore_mem>>) src(%arg15 : memref<64x128xf32, #tpu.memory_space<vmem>>) dst(%dma_wait3A_166 : memref<64x128xf32, #tpu.memory_space<vmem_shared>>)
        tpu.yield
      }) : () -> ()
      %add3A_119 = arith.constant 384 : i32
      %add3A_120 = arith.addi %mul3A_96, %add3A_119 : i32
      "tpu.region"() ({
        %run_scoped3A = tpu.sem_alloc : memref<!tpu.dma_semaphore, #tpu.memory_space<semaphore_mem>>
        %dma_start3A = arith.constant 0 : i32
        %dma_start3A_161 = tpu.memref_slice %arg16[%add3A_120, %dma_start3A] : memref<8208x128xf32, #tpu.memory_space<vmem_shared>> -> memref<64x128xf32, #tpu.memory_space<vmem_shared>>
        %dma_start3A_162 = arith.constant 0 : i32
        %dma_start3A_163 = tpu.memref_slice %arg16[%add3A_120, %dma_start3A_162] : memref<8208x128xf32, #tpu.memory_space<vmem_shared>> -> memref<64x128xf32, #tpu.memory_space<vmem_shared>>
        tpu.enqueue_dma source(%arg15 : memref<64x128xf32, #tpu.memory_space<vmem>>) target(%dma_start3A_163 : memref<64x128xf32, #tpu.memory_space<vmem_shared>>) target_semaphore(%run_scoped3A : memref<!tpu.dma_semaphore, #tpu.memory_space<semaphore_mem>>)
        %dma_wait3A = arith.constant 0 : i32
        %dma_wait3A_164 = tpu.memref_slice %arg16[%add3A_120, %dma_wait3A] : memref<8208x128xf32, #tpu.memory_space<vmem_shared>> -> memref<64x128xf32, #tpu.memory_space<vmem_shared>>
        %dma_wait3A_165 = arith.constant 0 : i32
        %dma_wait3A_166 = tpu.memref_slice %arg16[%add3A_120, %dma_wait3A_165] : memref<8208x128xf32, #tpu.memory_space<vmem_shared>> -> memref<64x128xf32, #tpu.memory_space<vmem_shared>>
        tpu.wait_dma2 semaphore(%run_scoped3A : memref<!tpu.dma_semaphore, #tpu.memory_space<semaphore_mem>>) src(%arg15 : memref<64x128xf32, #tpu.memory_space<vmem>>) dst(%dma_wait3A_166 : memref<64x128xf32, #tpu.memory_space<vmem_shared>>)
        tpu.yield
      }) : () -> ()
      %add3A_121 = arith.constant 448 : i32
      %add3A_122 = arith.addi %mul3A_96, %add3A_121 : i32
      "tpu.region"() ({
        %run_scoped3A = tpu.sem_alloc : memref<!tpu.dma_semaphore, #tpu.memory_space<semaphore_mem>>
        %dma_start3A = arith.constant 0 : i32
        %dma_start3A_161 = tpu.memref_slice %arg16[%add3A_122, %dma_start3A] : memref<8208x128xf32, #tpu.memory_space<vmem_shared>> -> memref<64x128xf32, #tpu.memory_space<vmem_shared>>
        %dma_start3A_162 = arith.constant 0 : i32
        %dma_start3A_163 = tpu.memref_slice %arg16[%add3A_122, %dma_start3A_162] : memref<8208x128xf32, #tpu.memory_space<vmem_shared>> -> memref<64x128xf32, #tpu.memory_space<vmem_shared>>
        tpu.enqueue_dma source(%arg15 : memref<64x128xf32, #tpu.memory_space<vmem>>) target(%dma_start3A_163 : memref<64x128xf32, #tpu.memory_space<vmem_shared>>) target_semaphore(%run_scoped3A : memref<!tpu.dma_semaphore, #tpu.memory_space<semaphore_mem>>)
        %dma_wait3A = arith.constant 0 : i32
        %dma_wait3A_164 = tpu.memref_slice %arg16[%add3A_122, %dma_wait3A] : memref<8208x128xf32, #tpu.memory_space<vmem_shared>> -> memref<64x128xf32, #tpu.memory_space<vmem_shared>>
        %dma_wait3A_165 = arith.constant 0 : i32
        %dma_wait3A_166 = tpu.memref_slice %arg16[%add3A_122, %dma_wait3A_165] : memref<8208x128xf32, #tpu.memory_space<vmem_shared>> -> memref<64x128xf32, #tpu.memory_space<vmem_shared>>
        tpu.wait_dma2 semaphore(%run_scoped3A : memref<!tpu.dma_semaphore, #tpu.memory_space<semaphore_mem>>) src(%arg15 : memref<64x128xf32, #tpu.memory_space<vmem>>) dst(%dma_wait3A_166 : memref<64x128xf32, #tpu.memory_space<vmem_shared>>)
        tpu.yield
      }) : () -> ()
      %barrier3A = arith.constant 0 : index
      tpu.barrier barrier_id(%barrier3A)
      %shift_right_logical3A = arith.constant 4 : i32
      %shift_right_logical3A_123 = arith.shrui %scan3A_103, %shift_right_logical3A : i32
      %shift_left3A = arith.constant 4 : i32
      %shift_left3A_124 = arith.shli %shift_right_logical3A_123, %shift_left3A : i32
      %and3A = arith.constant 15 : i32
      %and3A_125 = arith.andi %scan3A_103, %and3A : i32
      %broadcast_in_dim3A_126 = arith.constant 0 : i32
      %broadcast_in_dim3A_127 = vector.broadcast %broadcast_in_dim3A_126 : i32 to vector<16xi32>
      %eq3A = vector.broadcast %and3A_125 : i32 to vector<16xi32>
      %eq3A_128 = arith.cmpi eq, %iota3A, %eq3A : vector<16xi32>
      %get3A_129 = arith.index_cast %shift_left3A_124 : i32 to index
      %get3A_130 = tpu.vector_load %arg9[%get3A_129] {strides = array<i32>} : memref<64xi32, #tpu.memory_space<vmem>>, vector<16xi32>,
      %select_n3A = arith.select %eq3A_128, %get3A_130, %broadcast_in_dim3A_127 : vector<16xi1>, vector<16xi32>
      %reduce_sum3A_131 = arith.constant true
      %reduce_sum3A_132 = vector.broadcast %reduce_sum3A_131 : i1 to vector<16xi1>
      %reduce_sum3A_133 = tpu.scan <sum>, %select_n3A masked %reduce_sum3A_132 : vector<16xi32>, vector<16xi1> -> vector<16xi32>
      %reduce_sum3A_134 = vector.extract %reduce_sum3A_133[15] : i32 from vector<16xi32>
      %eq3A_135 = vector.broadcast %and3A_125 : i32 to vector<16xi32>
      %eq3A_136 = arith.cmpi eq, %iota3A, %eq3A_135 : vector<16xi32>
      %get3A_137 = arith.index_cast %shift_left3A_124 : i32 to index
      %get3A_138 = tpu.vector_load %arg10[%get3A_137] {strides = array<i32>} : memref<64xi32, #tpu.memory_space<vmem>>, vector<16xi32>,
      %select_n3A_139 = arith.select %eq3A_136, %get3A_138, %broadcast_in_dim3A_127 : vector<16xi1>, vector<16xi32>
      %reduce_sum3A_140 = arith.constant true
      %reduce_sum3A_141 = vector.broadcast %reduce_sum3A_140 : i1 to vector<16xi1>
      %reduce_sum3A_142 = tpu.scan <sum>, %select_n3A_139 masked %reduce_sum3A_141 : vector<16xi32>, vector<16xi1> -> vector<16xi32>
      %reduce_sum3A_143 = vector.extract %reduce_sum3A_142[15] : i32 from vector<16xi32>
      %add3A_144 = arith.constant 128 : i32
      %add3A_145 = arith.addi %reduce_sum3A_134, %add3A_144 : i32
      %sub3A_146 = arith.constant 1 : i32
      %sub3A_147 = arith.subi %add3A_145, %sub3A_146 : i32
      %shift_right_logical3A_148 = arith.constant 7 : i32
      %shift_right_logical3A_149 = arith.shrui %sub3A_147, %shift_right_logical3A_148 : i32
      %while3A = arith.constant 0 : i32
      %while3A_150 = arith.constant 0 : i32
      %while3A_151 = arith.subi %shift_right_logical3A_149, %while3A_150 : i32
      %while3A_152 = arith.addi %while3A_150, %while3A_151 : i32
      %while3A_153 = arith.constant 1 : i32
      %while3A_154 = arith.divsi %while3A_151, %while3A_153 : i32
      %while3A_155 = arith.muli %while3A_154, %while3A_153 : i32
      %while3A_156 = arith.addi %while3A_150, %while3A_155 : i32
      %while3A_157 = arith.constant 1 : i32
      scf.for %while3A_161 = %while3A_150 to %while3A_156 step %while3A_157  : i32 {
        %mul3A_162 = arith.constant 128 : i32
        %mul3A_163 = arith.muli %while3A_161, %mul3A_162 : i32
        %add3A_164 = arith.constant 0 : i32
        %add3A_165 = arith.addi %mul3A_163, %add3A_164 : i32
        %add3A_166 = arith.addi %reduce_sum3A_143, %add3A_165 : i32
        %get3A_167 = arith.index_cast %add3A_166 : i32 to index
        %get3A_168 = tpu.vector_load %arg8[%get3A_167] {strides = array<i32>} : memref<16384xi32, #tpu.memory_space<vmem>>, vector<16xi32>,
        %add3A_169 = vector.broadcast %add3A_165 : i32 to vector<16xi32>
        %add3A_170 = arith.addi %add3A_169, %iota3A : vector<16xi32>
        %lt3A = vector.broadcast %reduce_sum3A_134 : i32 to vector<16xi32>
        %lt3A_171 = arith.cmpi slt, %add3A_170, %lt3A : vector<16xi32>
        %and3A_172 = arith.constant 262143 : i32
        %and3A_173 = vector.broadcast %and3A_172 : i32 to vector<16xi32>
        %and3A_174 = arith.andi %get3A_168, %and3A_173 : vector<16xi32>
        %mul3A_175 = arith.constant 16 : i32
        %mul3A_176 = arith.muli %arg1, %mul3A_175 : i32
        %add3A_177 = vector.broadcast %mul3A_176 : i32 to vector<16xi32>
        %add3A_178 = arith.addi %add3A_177, %add3A_170 : vector<16xi32>
        %and3A_179 = arith.constant 262143 : i32
        %and3A_180 = vector.broadcast %and3A_179 : i32 to vector<16xi32>
        %and3A_181 = arith.andi %add3A_178, %and3A_180 : vector<16xi32>
        %select_n3A_182 = arith.select %lt3A_171, %and3A_174, %and3A_181 : vector<16xi1>, vector<16xi32>
        %shift_right_logical3A_183 = arith.constant 18 : i32
        %shift_right_logical3A_184 = vector.broadcast %shift_right_logical3A_183 : i32 to vector<16xi32>
        %shift_right_logical3A_185 = arith.shrui %get3A_168, %shift_right_logical3A_184 : vector<16xi32>
        %add3A_186 = arith.constant 8192 : i32
        %add3A_187 = arith.addi %add3A_186, %arg1 : i32
        %broadcast_in_dim3A_188 = vector.broadcast %add3A_187 : i32 to vector<16xi32>
        %select_n3A_189 = arith.select %lt3A_171, %shift_right_logical3A_185, %broadcast_in_dim3A_188 : vector<16xi1>, vector<16xi32>
        %swap3A_190 = arith.constant 0 : index
        %swap3A_191 = tpu.vector_load %arg12[%swap3A_190] {strides = array<i32>} : memref<128xi32, #tpu.memory_space<vmem>>, vector<16xi32>,
        tpu.vector_store %arg12[%swap3A_190], %select_n3A_182 {strides = array<i32>} : memref<128xi32, #tpu.memory_space<vmem>>, vector<16xi32>,
        %swap3A_192 = arith.constant 0 : index
        %swap3A_193 = tpu.vector_load %arg13[%swap3A_192] {strides = array<i32>} : memref<128xi32, #tpu.memory_space<vmem>>, vector<16xi32>,
        tpu.vector_store %arg13[%swap3A_192], %select_n3A_189 {strides = array<i32>} : memref<128xi32, #tpu.memory_space<vmem>>, vector<16xi32>,
        %mul3A_194 = arith.constant 128 : i32
        %mul3A_195 = arith.muli %while3A_161, %mul3A_194 : i32
        %add3A_196 = arith.constant 16 : i32
        %add3A_197 = arith.addi %mul3A_195, %add3A_196 : i32
        %add3A_198 = arith.addi %reduce_sum3A_143, %add3A_197 : i32
        %get3A_199 = arith.index_cast %add3A_198 : i32 to index
        %get3A_200 = tpu.vector_load %arg8[%get3A_199] {strides = array<i32>} : memref<16384xi32, #tpu.memory_space<vmem>>, vector<16xi32>,
        %add3A_201 = vector.broadcast %add3A_197 : i32 to vector<16xi32>
        %add3A_202 = arith.addi %add3A_201, %iota3A : vector<16xi32>
        %lt3A_203 = vector.broadcast %reduce_sum3A_134 : i32 to vector<16xi32>
        %lt3A_204 = arith.cmpi slt, %add3A_202, %lt3A_203 : vector<16xi32>
        %and3A_205 = arith.constant 262143 : i32
        %and3A_206 = vector.broadcast %and3A_205 : i32 to vector<16xi32>
        %and3A_207 = arith.andi %get3A_200, %and3A_206 : vector<16xi32>
        %mul3A_208 = arith.constant 16 : i32
        %mul3A_209 = arith.muli %arg1, %mul3A_208 : i32
        %add3A_210 = vector.broadcast %mul3A_209 : i32 to vector<16xi32>
        %add3A_211 = arith.addi %add3A_210, %add3A_202 : vector<16xi32>
        %and3A_212 = arith.constant 262143 : i32
        %and3A_213 = vector.broadcast %and3A_212 : i32 to vector<16xi32>
        %and3A_214 = arith.andi %add3A_211, %and3A_213 : vector<16xi32>
        %select_n3A_215 = arith.select %lt3A_204, %and3A_207, %and3A_214 : vector<16xi1>, vector<16xi32>
        %shift_right_logical3A_216 = arith.constant 18 : i32
        %shift_right_logical3A_217 = vector.broadcast %shift_right_logical3A_216 : i32 to vector<16xi32>
        %shift_right_logical3A_218 = arith.shrui %get3A_200, %shift_right_logical3A_217 : vector<16xi32>
        %add3A_219 = arith.constant 8192 : i32
        %add3A_220 = arith.addi %add3A_219, %arg1 : i32
        %broadcast_in_dim3A_221 = vector.broadcast %add3A_220 : i32 to vector<16xi32>
        %select_n3A_222 = arith.select %lt3A_204, %shift_right_logical3A_218, %broadcast_in_dim3A_221 : vector<16xi1>, vector<16xi32>
        %swap3A_223 = arith.constant 16 : index
        %swap3A_224 = tpu.vector_load %arg12[%swap3A_223] {strides = array<i32>} : memref<128xi32, #tpu.memory_space<vmem>>, vector<16xi32>,
        tpu.vector_store %arg12[%swap3A_223], %select_n3A_215 {strides = array<i32>} : memref<128xi32, #tpu.memory_space<vmem>>, vector<16xi32>,
        %swap3A_225 = arith.constant 16 : index
        %swap3A_226 = tpu.vector_load %arg13[%swap3A_225] {strides = array<i32>} : memref<128xi32, #tpu.memory_space<vmem>>, vector<16xi32>,
        tpu.vector_store %arg13[%swap3A_225], %select_n3A_222 {strides = array<i32>} : memref<128xi32, #tpu.memory_space<vmem>>, vector<16xi32>,
        %mul3A_227 = arith.constant 128 : i32
        %mul3A_228 = arith.muli %while3A_161, %mul3A_227 : i32
        %add3A_229 = arith.constant 32 : i32
        %add3A_230 = arith.addi %mul3A_228, %add3A_229 : i32
        %add3A_231 = arith.addi %reduce_sum3A_143, %add3A_230 : i32
        %get3A_232 = arith.index_cast %add3A_231 : i32 to index
        %get3A_233 = tpu.vector_load %arg8[%get3A_232] {strides = array<i32>} : memref<16384xi32, #tpu.memory_space<vmem>>, vector<16xi32>,
        %add3A_234 = vector.broadcast %add3A_230 : i32 to vector<16xi32>
        %add3A_235 = arith.addi %add3A_234, %iota3A : vector<16xi32>
        %lt3A_236 = vector.broadcast %reduce_sum3A_134 : i32 to vector<16xi32>
        %lt3A_237 = arith.cmpi slt, %add3A_235, %lt3A_236 : vector<16xi32>
        %and3A_238 = arith.constant 262143 : i32
        %and3A_239 = vector.broadcast %and3A_238 : i32 to vector<16xi32>
        %and3A_240 = arith.andi %get3A_233, %and3A_239 : vector<16xi32>
        %mul3A_241 = arith.constant 16 : i32
        %mul3A_242 = arith.muli %arg1, %mul3A_241 : i32
        %add3A_243 = vector.broadcast %mul3A_242 : i32 to vector<16xi32>
        %add3A_244 = arith.addi %add3A_243, %add3A_235 : vector<16xi32>
        %and3A_245 = arith.constant 262143 : i32
        %and3A_246 = vector.broadcast %and3A_245 : i32 to vector<16xi32>
        %and3A_247 = arith.andi %add3A_244, %and3A_246 : vector<16xi32>
        %select_n3A_248 = arith.select %lt3A_237, %and3A_240, %and3A_247 : vector<16xi1>, vector<16xi32>
        %shift_right_logical3A_249 = arith.constant 18 : i32
        %shift_right_logical3A_250 = vector.broadcast %shift_right_logical3A_249 : i32 to vector<16xi32>
        %shift_right_logical3A_251 = arith.shrui %get3A_233, %shift_right_logical3A_250 : vector<16xi32>
        %add3A_252 = arith.constant 8192 : i32
        %add3A_253 = arith.addi %add3A_252, %arg1 : i32
        %broadcast_in_dim3A_254 = vector.broadcast %add3A_253 : i32 to vector<16xi32>
        %select_n3A_255 = arith.select %lt3A_237, %shift_right_logical3A_251, %broadcast_in_dim3A_254 : vector<16xi1>, vector<16xi32>
        %swap3A_256 = arith.constant 32 : index
        %swap3A_257 = tpu.vector_load %arg12[%swap3A_256] {strides = array<i32>} : memref<128xi32, #tpu.memory_space<vmem>>, vector<16xi32>,
        tpu.vector_store %arg12[%swap3A_256], %select_n3A_248 {strides = array<i32>} : memref<128xi32, #tpu.memory_space<vmem>>, vector<16xi32>,
        %swap3A_258 = arith.constant 32 : index
        %swap3A_259 = tpu.vector_load %arg13[%swap3A_258] {strides = array<i32>} : memref<128xi32, #tpu.memory_space<vmem>>, vector<16xi32>,
        tpu.vector_store %arg13[%swap3A_258], %select_n3A_255 {strides = array<i32>} : memref<128xi32, #tpu.memory_space<vmem>>, vector<16xi32>,
        %mul3A_260 = arith.constant 128 : i32
        %mul3A_261 = arith.muli %while3A_161, %mul3A_260 : i32
        %add3A_262 = arith.constant 48 : i32
        %add3A_263 = arith.addi %mul3A_261, %add3A_262 : i32
        %add3A_264 = arith.addi %reduce_sum3A_143, %add3A_263 : i32
        %get3A_265 = arith.index_cast %add3A_264 : i32 to index
        %get3A_266 = tpu.vector_load %arg8[%get3A_265] {strides = array<i32>} : memref<16384xi32, #tpu.memory_space<vmem>>, vector<16xi32>,
        %add3A_267 = vector.broadcast %add3A_263 : i32 to vector<16xi32>
        %add3A_268 = arith.addi %add3A_267, %iota3A : vector<16xi32>
        %lt3A_269 = vector.broadcast %reduce_sum3A_134 : i32 to vector<16xi32>
        %lt3A_270 = arith.cmpi slt, %add3A_268, %lt3A_269 : vector<16xi32>
        %and3A_271 = arith.constant 262143 : i32
        %and3A_272 = vector.broadcast %and3A_271 : i32 to vector<16xi32>
        %and3A_273 = arith.andi %get3A_266, %and3A_272 : vector<16xi32>
        %mul3A_274 = arith.constant 16 : i32
        %mul3A_275 = arith.muli %arg1, %mul3A_274 : i32
        %add3A_276 = vector.broadcast %mul3A_275 : i32 to vector<16xi32>
        %add3A_277 = arith.addi %add3A_276, %add3A_268 : vector<16xi32>
        %and3A_278 = arith.constant 262143 : i32
        %and3A_279 = vector.broadcast %and3A_278 : i32 to vector<16xi32>
        %and3A_280 = arith.andi %add3A_277, %and3A_279 : vector<16xi32>
        %select_n3A_281 = arith.select %lt3A_270, %and3A_273, %and3A_280 : vector<16xi1>, vector<16xi32>
        %shift_right_logical3A_282 = arith.constant 18 : i32
        %shift_right_logical3A_283 = vector.broadcast %shift_right_logical3A_282 : i32 to vector<16xi32>
        %shift_right_logical3A_284 = arith.shrui %get3A_266, %shift_right_logical3A_283 : vector<16xi32>
        %add3A_285 = arith.constant 8192 : i32
        %add3A_286 = arith.addi %add3A_285, %arg1 : i32
        %broadcast_in_dim3A_287 = vector.broadcast %add3A_286 : i32 to vector<16xi32>
        %select_n3A_288 = arith.select %lt3A_270, %shift_right_logical3A_284, %broadcast_in_dim3A_287 : vector<16xi1>, vector<16xi32>
        %swap3A_289 = arith.constant 48 : index
        %swap3A_290 = tpu.vector_load %arg12[%swap3A_289] {strides = array<i32>} : memref<128xi32, #tpu.memory_space<vmem>>, vector<16xi32>,
        tpu.vector_store %arg12[%swap3A_289], %select_n3A_281 {strides = array<i32>} : memref<128xi32, #tpu.memory_space<vmem>>, vector<16xi32>,
        %swap3A_291 = arith.constant 48 : index
        %swap3A_292 = tpu.vector_load %arg13[%swap3A_291] {strides = array<i32>} : memref<128xi32, #tpu.memory_space<vmem>>, vector<16xi32>,
        tpu.vector_store %arg13[%swap3A_291], %select_n3A_288 {strides = array<i32>} : memref<128xi32, #tpu.memory_space<vmem>>, vector<16xi32>,
        %mul3A_293 = arith.constant 128 : i32
        %mul3A_294 = arith.muli %while3A_161, %mul3A_293 : i32
        %add3A_295 = arith.constant 64 : i32
        %add3A_296 = arith.addi %mul3A_294, %add3A_295 : i32
        %add3A_297 = arith.addi %reduce_sum3A_143, %add3A_296 : i32
        %get3A_298 = arith.index_cast %add3A_297 : i32 to index
        %get3A_299 = tpu.vector_load %arg8[%get3A_298] {strides = array<i32>} : memref<16384xi32, #tpu.memory_space<vmem>>, vector<16xi32>,
        %add3A_300 = vector.broadcast %add3A_296 : i32 to vector<16xi32>
        %add3A_301 = arith.addi %add3A_300, %iota3A : vector<16xi32>
        %lt3A_302 = vector.broadcast %reduce_sum3A_134 : i32 to vector<16xi32>
        %lt3A_303 = arith.cmpi slt, %add3A_301, %lt3A_302 : vector<16xi32>
        %and3A_304 = arith.constant 262143 : i32
        %and3A_305 = vector.broadcast %and3A_304 : i32 to vector<16xi32>
        %and3A_306 = arith.andi %get3A_299, %and3A_305 : vector<16xi32>
        %mul3A_307 = arith.constant 16 : i32
        %mul3A_308 = arith.muli %arg1, %mul3A_307 : i32
        %add3A_309 = vector.broadcast %mul3A_308 : i32 to vector<16xi32>
        %add3A_310 = arith.addi %add3A_309, %add3A_301 : vector<16xi32>
        %and3A_311 = arith.constant 262143 : i32
        %and3A_312 = vector.broadcast %and3A_311 : i32 to vector<16xi32>
        %and3A_313 = arith.andi %add3A_310, %and3A_312 : vector<16xi32>
        %select_n3A_314 = arith.select %lt3A_303, %and3A_306, %and3A_313 : vector<16xi1>, vector<16xi32>
        %shift_right_logical3A_315 = arith.constant 18 : i32
        %shift_right_logical3A_316 = vector.broadcast %shift_right_logical3A_315 : i32 to vector<16xi32>
        %shift_right_logical3A_317 = arith.shrui %get3A_299, %shift_right_logical3A_316 : vector<16xi32>
        %add3A_318 = arith.constant 8192 : i32
        %add3A_319 = arith.addi %add3A_318, %arg1 : i32
        %broadcast_in_dim3A_320 = vector.broadcast %add3A_319 : i32 to vector<16xi32>
        %select_n3A_321 = arith.select %lt3A_303, %shift_right_logical3A_317, %broadcast_in_dim3A_320 : vector<16xi1>, vector<16xi32>
        %swap3A_322 = arith.constant 64 : index
        %swap3A_323 = tpu.vector_load %arg12[%swap3A_322] {strides = array<i32>} : memref<128xi32, #tpu.memory_space<vmem>>, vector<16xi32>,
        tpu.vector_store %arg12[%swap3A_322], %select_n3A_314 {strides = array<i32>} : memref<128xi32, #tpu.memory_space<vmem>>, vector<16xi32>,
        %swap3A_324 = arith.constant 64 : index
        %swap3A_325 = tpu.vector_load %arg13[%swap3A_324] {strides = array<i32>} : memref<128xi32, #tpu.memory_space<vmem>>, vector<16xi32>,
        tpu.vector_store %arg13[%swap3A_324], %select_n3A_321 {strides = array<i32>} : memref<128xi32, #tpu.memory_space<vmem>>, vector<16xi32>,
        %mul3A_326 = arith.constant 128 : i32
        %mul3A_327 = arith.muli %while3A_161, %mul3A_326 : i32
        %add3A_328 = arith.constant 80 : i32
        %add3A_329 = arith.addi %mul3A_327, %add3A_328 : i32
        %add3A_330 = arith.addi %reduce_sum3A_143, %add3A_329 : i32
        %get3A_331 = arith.index_cast %add3A_330 : i32 to index
        %get3A_332 = tpu.vector_load %arg8[%get3A_331] {strides = array<i32>} : memref<16384xi32, #tpu.memory_space<vmem>>, vector<16xi32>,
        %add3A_333 = vector.broadcast %add3A_329 : i32 to vector<16xi32>
        %add3A_334 = arith.addi %add3A_333, %iota3A : vector<16xi32>
        %lt3A_335 = vector.broadcast %reduce_sum3A_134 : i32 to vector<16xi32>
        %lt3A_336 = arith.cmpi slt, %add3A_334, %lt3A_335 : vector<16xi32>
        %and3A_337 = arith.constant 262143 : i32
        %and3A_338 = vector.broadcast %and3A_337 : i32 to vector<16xi32>
        %and3A_339 = arith.andi %get3A_332, %and3A_338 : vector<16xi32>
        %mul3A_340 = arith.constant 16 : i32
        %mul3A_341 = arith.muli %arg1, %mul3A_340 : i32
        %add3A_342 = vector.broadcast %mul3A_341 : i32 to vector<16xi32>
        %add3A_343 = arith.addi %add3A_342, %add3A_334 : vector<16xi32>
        %and3A_344 = arith.constant 262143 : i32
        %and3A_345 = vector.broadcast %and3A_344 : i32 to vector<16xi32>
        %and3A_346 = arith.andi %add3A_343, %and3A_345 : vector<16xi32>
        %select_n3A_347 = arith.select %lt3A_336, %and3A_339, %and3A_346 : vector<16xi1>, vector<16xi32>
        %shift_right_logical3A_348 = arith.constant 18 : i32
        %shift_right_logical3A_349 = vector.broadcast %shift_right_logical3A_348 : i32 to vector<16xi32>
        %shift_right_logical3A_350 = arith.shrui %get3A_332, %shift_right_logical3A_349 : vector<16xi32>
        %add3A_351 = arith.constant 8192 : i32
        %add3A_352 = arith.addi %add3A_351, %arg1 : i32
        %broadcast_in_dim3A_353 = vector.broadcast %add3A_352 : i32 to vector<16xi32>
        %select_n3A_354 = arith.select %lt3A_336, %shift_right_logical3A_350, %broadcast_in_dim3A_353 : vector<16xi1>, vector<16xi32>
        %swap3A_355 = arith.constant 80 : index
        %swap3A_356 = tpu.vector_load %arg12[%swap3A_355] {strides = array<i32>} : memref<128xi32, #tpu.memory_space<vmem>>, vector<16xi32>,
        tpu.vector_store %arg12[%swap3A_355], %select_n3A_347 {strides = array<i32>} : memref<128xi32, #tpu.memory_space<vmem>>, vector<16xi32>,
        %swap3A_357 = arith.constant 80 : index
        %swap3A_358 = tpu.vector_load %arg13[%swap3A_357] {strides = array<i32>} : memref<128xi32, #tpu.memory_space<vmem>>, vector<16xi32>,
        tpu.vector_store %arg13[%swap3A_357], %select_n3A_354 {strides = array<i32>} : memref<128xi32, #tpu.memory_space<vmem>>, vector<16xi32>,
        %mul3A_359 = arith.constant 128 : i32
        %mul3A_360 = arith.muli %while3A_161, %mul3A_359 : i32
        %add3A_361 = arith.constant 96 : i32
        %add3A_362 = arith.addi %mul3A_360, %add3A_361 : i32
        %add3A_363 = arith.addi %reduce_sum3A_143, %add3A_362 : i32
        %get3A_364 = arith.index_cast %add3A_363 : i32 to index
        %get3A_365 = tpu.vector_load %arg8[%get3A_364] {strides = array<i32>} : memref<16384xi32, #tpu.memory_space<vmem>>, vector<16xi32>,
        %add3A_366 = vector.broadcast %add3A_362 : i32 to vector<16xi32>
        %add3A_367 = arith.addi %add3A_366, %iota3A : vector<16xi32>
        %lt3A_368 = vector.broadcast %reduce_sum3A_134 : i32 to vector<16xi32>
        %lt3A_369 = arith.cmpi slt, %add3A_367, %lt3A_368 : vector<16xi32>
        %and3A_370 = arith.constant 262143 : i32
        %and3A_371 = vector.broadcast %and3A_370 : i32 to vector<16xi32>
        %and3A_372 = arith.andi %get3A_365, %and3A_371 : vector<16xi32>
        %mul3A_373 = arith.constant 16 : i32
        %mul3A_374 = arith.muli %arg1, %mul3A_373 : i32
        %add3A_375 = vector.broadcast %mul3A_374 : i32 to vector<16xi32>
        %add3A_376 = arith.addi %add3A_375, %add3A_367 : vector<16xi32>
        %and3A_377 = arith.constant 262143 : i32
        %and3A_378 = vector.broadcast %and3A_377 : i32 to vector<16xi32>
        %and3A_379 = arith.andi %add3A_376, %and3A_378 : vector<16xi32>
        %select_n3A_380 = arith.select %lt3A_369, %and3A_372, %and3A_379 : vector<16xi1>, vector<16xi32>
        %shift_right_logical3A_381 = arith.constant 18 : i32
        %shift_right_logical3A_382 = vector.broadcast %shift_right_logical3A_381 : i32 to vector<16xi32>
        %shift_right_logical3A_383 = arith.shrui %get3A_365, %shift_right_logical3A_382 : vector<16xi32>
        %add3A_384 = arith.constant 8192 : i32
        %add3A_385 = arith.addi %add3A_384, %arg1 : i32
        %broadcast_in_dim3A_386 = vector.broadcast %add3A_385 : i32 to vector<16xi32>
        %select_n3A_387 = arith.select %lt3A_369, %shift_right_logical3A_383, %broadcast_in_dim3A_386 : vector<16xi1>, vector<16xi32>
        %swap3A_388 = arith.constant 96 : index
        %swap3A_389 = tpu.vector_load %arg12[%swap3A_388] {strides = array<i32>} : memref<128xi32, #tpu.memory_space<vmem>>, vector<16xi32>,
        tpu.vector_store %arg12[%swap3A_388], %select_n3A_380 {strides = array<i32>} : memref<128xi32, #tpu.memory_space<vmem>>, vector<16xi32>,
        %swap3A_390 = arith.constant 96 : index
        %swap3A_391 = tpu.vector_load %arg13[%swap3A_390] {strides = array<i32>} : memref<128xi32, #tpu.memory_space<vmem>>, vector<16xi32>,
        tpu.vector_store %arg13[%swap3A_390], %select_n3A_387 {strides = array<i32>} : memref<128xi32, #tpu.memory_space<vmem>>, vector<16xi32>,
        %mul3A_392 = arith.constant 128 : i32
        %mul3A_393 = arith.muli %while3A_161, %mul3A_392 : i32
        %add3A_394 = arith.constant 112 : i32
        %add3A_395 = arith.addi %mul3A_393, %add3A_394 : i32
        %add3A_396 = arith.addi %reduce_sum3A_143, %add3A_395 : i32
        %get3A_397 = arith.index_cast %add3A_396 : i32 to index
        %get3A_398 = tpu.vector_load %arg8[%get3A_397] {strides = array<i32>} : memref<16384xi32, #tpu.memory_space<vmem>>, vector<16xi32>,
        %add3A_399 = vector.broadcast %add3A_395 : i32 to vector<16xi32>
        %add3A_400 = arith.addi %add3A_399, %iota3A : vector<16xi32>
        %lt3A_401 = vector.broadcast %reduce_sum3A_134 : i32 to vector<16xi32>
        %lt3A_402 = arith.cmpi slt, %add3A_400, %lt3A_401 : vector<16xi32>
        %and3A_403 = arith.constant 262143 : i32
        %and3A_404 = vector.broadcast %and3A_403 : i32 to vector<16xi32>
        %and3A_405 = arith.andi %get3A_398, %and3A_404 : vector<16xi32>
        %mul3A_406 = arith.constant 16 : i32
        %mul3A_407 = arith.muli %arg1, %mul3A_406 : i32
        %add3A_408 = vector.broadcast %mul3A_407 : i32 to vector<16xi32>
        %add3A_409 = arith.addi %add3A_408, %add3A_400 : vector<16xi32>
        %and3A_410 = arith.constant 262143 : i32
        %and3A_411 = vector.broadcast %and3A_410 : i32 to vector<16xi32>
        %and3A_412 = arith.andi %add3A_409, %and3A_411 : vector<16xi32>
        %select_n3A_413 = arith.select %lt3A_402, %and3A_405, %and3A_412 : vector<16xi1>, vector<16xi32>
        %shift_right_logical3A_414 = arith.constant 18 : i32
        %shift_right_logical3A_415 = vector.broadcast %shift_right_logical3A_414 : i32 to vector<16xi32>
        %shift_right_logical3A_416 = arith.shrui %get3A_398, %shift_right_logical3A_415 : vector<16xi32>
        %add3A_417 = arith.constant 8192 : i32
        %add3A_418 = arith.addi %add3A_417, %arg1 : i32
        %broadcast_in_dim3A_419 = vector.broadcast %add3A_418 : i32 to vector<16xi32>
        %select_n3A_420 = arith.select %lt3A_402, %shift_right_logical3A_416, %broadcast_in_dim3A_419 : vector<16xi1>, vector<16xi32>
        %swap3A_421 = arith.constant 112 : index
        %swap3A_422 = tpu.vector_load %arg12[%swap3A_421] {strides = array<i32>} : memref<128xi32, #tpu.memory_space<vmem>>, vector<16xi32>,
        tpu.vector_store %arg12[%swap3A_421], %select_n3A_413 {strides = array<i32>} : memref<128xi32, #tpu.memory_space<vmem>>, vector<16xi32>,
        %swap3A_423 = arith.constant 112 : index
        %swap3A_424 = tpu.vector_load %arg13[%swap3A_423] {strides = array<i32>} : memref<128xi32, #tpu.memory_space<vmem>>, vector<16xi32>,
        tpu.vector_store %arg13[%swap3A_423], %select_n3A_420 {strides = array<i32>} : memref<128xi32, #tpu.memory_space<vmem>>, vector<16xi32>,
        "tpu.region"() ({
          %run_scoped3A = tpu.sem_alloc : memref<!tpu.dma_semaphore, #tpu.memory_space<semaphore_mem>>
          %dma_start3A = arith.constant 0 : i32
          %dma_start3A_425 = arith.constant 0 : i32
          %dma_start3A_426 = tpu.memref_slice %arg4[%dma_start3A, %dma_start3A_425] : memref<262144x128xf32, #tpu.memory_space<hbm>> -> memref<262144x128xf32, #tpu.memory_space<hbm>>
          tpu.enqueue_indirect_dma source(%dma_start3A_426 : memref<262144x128xf32, #tpu.memory_space<hbm>>) target(%arg14 : memref<128x128xf32, #tpu.memory_space<vmem>>) offsets(%arg12 : memref<128xi32, #tpu.memory_space<vmem>>) semaphore(%run_scoped3A : memref<!tpu.dma_semaphore, #tpu.memory_space<semaphore_mem>>)
          %dma_wait3A = arith.constant 0 : i32
          %dma_wait3A_427 = arith.constant 0 : i32
          %dma_wait3A_428 = tpu.memref_slice %arg4[%dma_wait3A, %dma_wait3A_427] : memref<262144x128xf32, #tpu.memory_space<hbm>> -> memref<262144x128xf32, #tpu.memory_space<hbm>>
          tpu.wait_indirect_dma semaphore(%run_scoped3A : memref<!tpu.dma_semaphore, #tpu.memory_space<semaphore_mem>>) src(%dma_wait3A_428 : memref<262144x128xf32, #tpu.memory_space<hbm>>) dst(%arg14 : memref<128x128xf32, #tpu.memory_space<vmem>>)
          tpu.yield
        }) : () -> ()
        "tpu.region"() ({
          %run_scoped3A = tpu.sem_alloc : memref<!tpu.dma_semaphore, #tpu.memory_space<semaphore_mem>>
          %dma_start3A = arith.constant 0 : i32
          %dma_start3A_425 = arith.constant 0 : i32
          %dma_start3A_426 = tpu.memref_slice %arg16[%dma_start3A, %dma_start3A_425] : memref<8208x128xf32, #tpu.memory_space<vmem_shared>> -> memref<8208x128xf32, #tpu.memory_space<vmem_shared>>
          tpu.enqueue_indirect_dma source(%arg14 : memref<128x128xf32, #tpu.memory_space<vmem>>) target(%dma_start3A_426 : memref<8208x128xf32, #tpu.memory_space<vmem_shared>>) offsets(%arg13 : memref<128xi32, #tpu.memory_space<vmem>>) semaphore(%run_scoped3A : memref<!tpu.dma_semaphore, #tpu.memory_space<semaphore_mem>>) {add = true}
          %dma_wait3A = arith.constant 0 : i32
          %dma_wait3A_427 = arith.constant 0 : i32
          %dma_wait3A_428 = tpu.memref_slice %arg16[%dma_wait3A, %dma_wait3A_427] : memref<8208x128xf32, #tpu.memory_space<vmem_shared>> -> memref<8208x128xf32, #tpu.memory_space<vmem_shared>>
          tpu.wait_indirect_dma semaphore(%run_scoped3A : memref<!tpu.dma_semaphore, #tpu.memory_space<semaphore_mem>>) src(%arg14 : memref<128x128xf32, #tpu.memory_space<vmem>>) dst(%dma_wait3A_428 : memref<8208x128xf32, #tpu.memory_space<vmem_shared>>)
          tpu.yield
        }) : () -> ()
      }
      %while3A_158 = arith.constant 1 : i32
      scf.for %while3A_161 = %while3A_156 to %while3A_152 step %while3A_158  : i32 {
        %mul3A_162 = arith.constant 128 : i32
        %mul3A_163 = arith.muli %while3A_161, %mul3A_162 : i32
        %add3A_164 = arith.constant 0 : i32
        %add3A_165 = arith.addi %mul3A_163, %add3A_164 : i32
        %add3A_166 = arith.addi %reduce_sum3A_143, %add3A_165 : i32
        %get3A_167 = arith.index_cast %add3A_166 : i32 to index
        %get3A_168 = tpu.vector_load %arg8[%get3A_167] {strides = array<i32>} : memref<16384xi32, #tpu.memory_space<vmem>>, vector<16xi32>,
        %add3A_169 = vector.broadcast %add3A_165 : i32 to vector<16xi32>
        %add3A_170 = arith.addi %add3A_169, %iota3A : vector<16xi32>
        %lt3A = vector.broadcast %reduce_sum3A_134 : i32 to vector<16xi32>
        %lt3A_171 = arith.cmpi slt, %add3A_170, %lt3A : vector<16xi32>
        %and3A_172 = arith.constant 262143 : i32
        %and3A_173 = vector.broadcast %and3A_172 : i32 to vector<16xi32>
        %and3A_174 = arith.andi %get3A_168, %and3A_173 : vector<16xi32>
        %mul3A_175 = arith.constant 16 : i32
        %mul3A_176 = arith.muli %arg1, %mul3A_175 : i32
        %add3A_177 = vector.broadcast %mul3A_176 : i32 to vector<16xi32>
        %add3A_178 = arith.addi %add3A_177, %add3A_170 : vector<16xi32>
        %and3A_179 = arith.constant 262143 : i32
        %and3A_180 = vector.broadcast %and3A_179 : i32 to vector<16xi32>
        %and3A_181 = arith.andi %add3A_178, %and3A_180 : vector<16xi32>
        %select_n3A_182 = arith.select %lt3A_171, %and3A_174, %and3A_181 : vector<16xi1>, vector<16xi32>
        %shift_right_logical3A_183 = arith.constant 18 : i32
        %shift_right_logical3A_184 = vector.broadcast %shift_right_logical3A_183 : i32 to vector<16xi32>
        %shift_right_logical3A_185 = arith.shrui %get3A_168, %shift_right_logical3A_184 : vector<16xi32>
        %add3A_186 = arith.constant 8192 : i32
        %add3A_187 = arith.addi %add3A_186, %arg1 : i32
        %broadcast_in_dim3A_188 = vector.broadcast %add3A_187 : i32 to vector<16xi32>
        %select_n3A_189 = arith.select %lt3A_171, %shift_right_logical3A_185, %broadcast_in_dim3A_188 : vector<16xi1>, vector<16xi32>
        %swap3A_190 = arith.constant 0 : index
        %swap3A_191 = tpu.vector_load %arg12[%swap3A_190] {strides = array<i32>} : memref<128xi32, #tpu.memory_space<vmem>>, vector<16xi32>,
        tpu.vector_store %arg12[%swap3A_190], %select_n3A_182 {strides = array<i32>} : memref<128xi32, #tpu.memory_space<vmem>>, vector<16xi32>,
        %swap3A_192 = arith.constant 0 : index
        %swap3A_193 = tpu.vector_load %arg13[%swap3A_192] {strides = array<i32>} : memref<128xi32, #tpu.memory_space<vmem>>, vector<16xi32>,
        tpu.vector_store %arg13[%swap3A_192], %select_n3A_189 {strides = array<i32>} : memref<128xi32, #tpu.memory_space<vmem>>, vector<16xi32>,
        %mul3A_194 = arith.constant 128 : i32
        %mul3A_195 = arith.muli %while3A_161, %mul3A_194 : i32
        %add3A_196 = arith.constant 16 : i32
        %add3A_197 = arith.addi %mul3A_195, %add3A_196 : i32
        %add3A_198 = arith.addi %reduce_sum3A_143, %add3A_197 : i32
        %get3A_199 = arith.index_cast %add3A_198 : i32 to index
        %get3A_200 = tpu.vector_load %arg8[%get3A_199] {strides = array<i32>} : memref<16384xi32, #tpu.memory_space<vmem>>, vector<16xi32>,
        %add3A_201 = vector.broadcast %add3A_197 : i32 to vector<16xi32>
        %add3A_202 = arith.addi %add3A_201, %iota3A : vector<16xi32>
        %lt3A_203 = vector.broadcast %reduce_sum3A_134 : i32 to vector<16xi32>
        %lt3A_204 = arith.cmpi slt, %add3A_202, %lt3A_203 : vector<16xi32>
        %and3A_205 = arith.constant 262143 : i32
        %and3A_206 = vector.broadcast %and3A_205 : i32 to vector<16xi32>
        %and3A_207 = arith.andi %get3A_200, %and3A_206 : vector<16xi32>
        %mul3A_208 = arith.constant 16 : i32
        %mul3A_209 = arith.muli %arg1, %mul3A_208 : i32
        %add3A_210 = vector.broadcast %mul3A_209 : i32 to vector<16xi32>
        %add3A_211 = arith.addi %add3A_210, %add3A_202 : vector<16xi32>
        %and3A_212 = arith.constant 262143 : i32
        %and3A_213 = vector.broadcast %and3A_212 : i32 to vector<16xi32>
        %and3A_214 = arith.andi %add3A_211, %and3A_213 : vector<16xi32>
        %select_n3A_215 = arith.select %lt3A_204, %and3A_207, %and3A_214 : vector<16xi1>, vector<16xi32>
        %shift_right_logical3A_216 = arith.constant 18 : i32
        %shift_right_logical3A_217 = vector.broadcast %shift_right_logical3A_216 : i32 to vector<16xi32>
        %shift_right_logical3A_218 = arith.shrui %get3A_200, %shift_right_logical3A_217 : vector<16xi32>
        %add3A_219 = arith.constant 8192 : i32
        %add3A_220 = arith.addi %add3A_219, %arg1 : i32
        %broadcast_in_dim3A_221 = vector.broadcast %add3A_220 : i32 to vector<16xi32>
        %select_n3A_222 = arith.select %lt3A_204, %shift_right_logical3A_218, %broadcast_in_dim3A_221 : vector<16xi1>, vector<16xi32>
        %swap3A_223 = arith.constant 16 : index
        %swap3A_224 = tpu.vector_load %arg12[%swap3A_223] {strides = array<i32>} : memref<128xi32, #tpu.memory_space<vmem>>, vector<16xi32>,
        tpu.vector_store %arg12[%swap3A_223], %select_n3A_215 {strides = array<i32>} : memref<128xi32, #tpu.memory_space<vmem>>, vector<16xi32>,
        %swap3A_225 = arith.constant 16 : index
        %swap3A_226 = tpu.vector_load %arg13[%swap3A_225] {strides = array<i32>} : memref<128xi32, #tpu.memory_space<vmem>>, vector<16xi32>,
        tpu.vector_store %arg13[%swap3A_225], %select_n3A_222 {strides = array<i32>} : memref<128xi32, #tpu.memory_space<vmem>>, vector<16xi32>,
        %mul3A_227 = arith.constant 128 : i32
        %mul3A_228 = arith.muli %while3A_161, %mul3A_227 : i32
        %add3A_229 = arith.constant 32 : i32
        %add3A_230 = arith.addi %mul3A_228, %add3A_229 : i32
        %add3A_231 = arith.addi %reduce_sum3A_143, %add3A_230 : i32
        %get3A_232 = arith.index_cast %add3A_231 : i32 to index
        %get3A_233 = tpu.vector_load %arg8[%get3A_232] {strides = array<i32>} : memref<16384xi32, #tpu.memory_space<vmem>>, vector<16xi32>,
        %add3A_234 = vector.broadcast %add3A_230 : i32 to vector<16xi32>
        %add3A_235 = arith.addi %add3A_234, %iota3A : vector<16xi32>
        %lt3A_236 = vector.broadcast %reduce_sum3A_134 : i32 to vector<16xi32>
        %lt3A_237 = arith.cmpi slt, %add3A_235, %lt3A_236 : vector<16xi32>
        %and3A_238 = arith.constant 262143 : i32
        %and3A_239 = vector.broadcast %and3A_238 : i32 to vector<16xi32>
        %and3A_240 = arith.andi %get3A_233, %and3A_239 : vector<16xi32>
        %mul3A_241 = arith.constant 16 : i32
        %mul3A_242 = arith.muli %arg1, %mul3A_241 : i32
        %add3A_243 = vector.broadcast %mul3A_242 : i32 to vector<16xi32>
        %add3A_244 = arith.addi %add3A_243, %add3A_235 : vector<16xi32>
        %and3A_245 = arith.constant 262143 : i32
        %and3A_246 = vector.broadcast %and3A_245 : i32 to vector<16xi32>
        %and3A_247 = arith.andi %add3A_244, %and3A_246 : vector<16xi32>
        %select_n3A_248 = arith.select %lt3A_237, %and3A_240, %and3A_247 : vector<16xi1>, vector<16xi32>
        %shift_right_logical3A_249 = arith.constant 18 : i32
        %shift_right_logical3A_250 = vector.broadcast %shift_right_logical3A_249 : i32 to vector<16xi32>
        %shift_right_logical3A_251 = arith.shrui %get3A_233, %shift_right_logical3A_250 : vector<16xi32>
        %add3A_252 = arith.constant 8192 : i32
        %add3A_253 = arith.addi %add3A_252, %arg1 : i32
        %broadcast_in_dim3A_254 = vector.broadcast %add3A_253 : i32 to vector<16xi32>
        %select_n3A_255 = arith.select %lt3A_237, %shift_right_logical3A_251, %broadcast_in_dim3A_254 : vector<16xi1>, vector<16xi32>
        %swap3A_256 = arith.constant 32 : index
        %swap3A_257 = tpu.vector_load %arg12[%swap3A_256] {strides = array<i32>} : memref<128xi32, #tpu.memory_space<vmem>>, vector<16xi32>,
        tpu.vector_store %arg12[%swap3A_256], %select_n3A_248 {strides = array<i32>} : memref<128xi32, #tpu.memory_space<vmem>>, vector<16xi32>,
        %swap3A_258 = arith.constant 32 : index
        %swap3A_259 = tpu.vector_load %arg13[%swap3A_258] {strides = array<i32>} : memref<128xi32, #tpu.memory_space<vmem>>, vector<16xi32>,
        tpu.vector_store %arg13[%swap3A_258], %select_n3A_255 {strides = array<i32>} : memref<128xi32, #tpu.memory_space<vmem>>, vector<16xi32>,
        %mul3A_260 = arith.constant 128 : i32
        %mul3A_261 = arith.muli %while3A_161, %mul3A_260 : i32
        %add3A_262 = arith.constant 48 : i32
        %add3A_263 = arith.addi %mul3A_261, %add3A_262 : i32
        %add3A_264 = arith.addi %reduce_sum3A_143, %add3A_263 : i32
        %get3A_265 = arith.index_cast %add3A_264 : i32 to index
        %get3A_266 = tpu.vector_load %arg8[%get3A_265] {strides = array<i32>} : memref<16384xi32, #tpu.memory_space<vmem>>, vector<16xi32>,
        %add3A_267 = vector.broadcast %add3A_263 : i32 to vector<16xi32>
        %add3A_268 = arith.addi %add3A_267, %iota3A : vector<16xi32>
        %lt3A_269 = vector.broadcast %reduce_sum3A_134 : i32 to vector<16xi32>
        %lt3A_270 = arith.cmpi slt, %add3A_268, %lt3A_269 : vector<16xi32>
        %and3A_271 = arith.constant 262143 : i32
        %and3A_272 = vector.broadcast %and3A_271 : i32 to vector<16xi32>
        %and3A_273 = arith.andi %get3A_266, %and3A_272 : vector<16xi32>
        %mul3A_274 = arith.constant 16 : i32
        %mul3A_275 = arith.muli %arg1, %mul3A_274 : i32
        %add3A_276 = vector.broadcast %mul3A_275 : i32 to vector<16xi32>
        %add3A_277 = arith.addi %add3A_276, %add3A_268 : vector<16xi32>
        %and3A_278 = arith.constant 262143 : i32
        %and3A_279 = vector.broadcast %and3A_278 : i32 to vector<16xi32>
        %and3A_280 = arith.andi %add3A_277, %and3A_279 : vector<16xi32>
        %select_n3A_281 = arith.select %lt3A_270, %and3A_273, %and3A_280 : vector<16xi1>, vector<16xi32>
        %shift_right_logical3A_282 = arith.constant 18 : i32
        %shift_right_logical3A_283 = vector.broadcast %shift_right_logical3A_282 : i32 to vector<16xi32>
        %shift_right_logical3A_284 = arith.shrui %get3A_266, %shift_right_logical3A_283 : vector<16xi32>
        %add3A_285 = arith.constant 8192 : i32
        %add3A_286 = arith.addi %add3A_285, %arg1 : i32
        %broadcast_in_dim3A_287 = vector.broadcast %add3A_286 : i32 to vector<16xi32>
        %select_n3A_288 = arith.select %lt3A_270, %shift_right_logical3A_284, %broadcast_in_dim3A_287 : vector<16xi1>, vector<16xi32>
        %swap3A_289 = arith.constant 48 : index
        %swap3A_290 = tpu.vector_load %arg12[%swap3A_289] {strides = array<i32>} : memref<128xi32, #tpu.memory_space<vmem>>, vector<16xi32>,
        tpu.vector_store %arg12[%swap3A_289], %select_n3A_281 {strides = array<i32>} : memref<128xi32, #tpu.memory_space<vmem>>, vector<16xi32>,
        %swap3A_291 = arith.constant 48 : index
        %swap3A_292 = tpu.vector_load %arg13[%swap3A_291] {strides = array<i32>} : memref<128xi32, #tpu.memory_space<vmem>>, vector<16xi32>,
        tpu.vector_store %arg13[%swap3A_291], %select_n3A_288 {strides = array<i32>} : memref<128xi32, #tpu.memory_space<vmem>>, vector<16xi32>,
        %mul3A_293 = arith.constant 128 : i32
        %mul3A_294 = arith.muli %while3A_161, %mul3A_293 : i32
        %add3A_295 = arith.constant 64 : i32
        %add3A_296 = arith.addi %mul3A_294, %add3A_295 : i32
        %add3A_297 = arith.addi %reduce_sum3A_143, %add3A_296 : i32
        %get3A_298 = arith.index_cast %add3A_297 : i32 to index
        %get3A_299 = tpu.vector_load %arg8[%get3A_298] {strides = array<i32>} : memref<16384xi32, #tpu.memory_space<vmem>>, vector<16xi32>,
        %add3A_300 = vector.broadcast %add3A_296 : i32 to vector<16xi32>
        %add3A_301 = arith.addi %add3A_300, %iota3A : vector<16xi32>
        %lt3A_302 = vector.broadcast %reduce_sum3A_134 : i32 to vector<16xi32>
        %lt3A_303 = arith.cmpi slt, %add3A_301, %lt3A_302 : vector<16xi32>
        %and3A_304 = arith.constant 262143 : i32
        %and3A_305 = vector.broadcast %and3A_304 : i32 to vector<16xi32>
        %and3A_306 = arith.andi %get3A_299, %and3A_305 : vector<16xi32>
        %mul3A_307 = arith.constant 16 : i32
        %mul3A_308 = arith.muli %arg1, %mul3A_307 : i32
        %add3A_309 = vector.broadcast %mul3A_308 : i32 to vector<16xi32>
        %add3A_310 = arith.addi %add3A_309, %add3A_301 : vector<16xi32>
        %and3A_311 = arith.constant 262143 : i32
        %and3A_312 = vector.broadcast %and3A_311 : i32 to vector<16xi32>
        %and3A_313 = arith.andi %add3A_310, %and3A_312 : vector<16xi32>
        %select_n3A_314 = arith.select %lt3A_303, %and3A_306, %and3A_313 : vector<16xi1>, vector<16xi32>
        %shift_right_logical3A_315 = arith.constant 18 : i32
        %shift_right_logical3A_316 = vector.broadcast %shift_right_logical3A_315 : i32 to vector<16xi32>
        %shift_right_logical3A_317 = arith.shrui %get3A_299, %shift_right_logical3A_316 : vector<16xi32>
        %add3A_318 = arith.constant 8192 : i32
        %add3A_319 = arith.addi %add3A_318, %arg1 : i32
        %broadcast_in_dim3A_320 = vector.broadcast %add3A_319 : i32 to vector<16xi32>
        %select_n3A_321 = arith.select %lt3A_303, %shift_right_logical3A_317, %broadcast_in_dim3A_320 : vector<16xi1>, vector<16xi32>
        %swap3A_322 = arith.constant 64 : index
        %swap3A_323 = tpu.vector_load %arg12[%swap3A_322] {strides = array<i32>} : memref<128xi32, #tpu.memory_space<vmem>>, vector<16xi32>,
        tpu.vector_store %arg12[%swap3A_322], %select_n3A_314 {strides = array<i32>} : memref<128xi32, #tpu.memory_space<vmem>>, vector<16xi32>,
        %swap3A_324 = arith.constant 64 : index
        %swap3A_325 = tpu.vector_load %arg13[%swap3A_324] {strides = array<i32>} : memref<128xi32, #tpu.memory_space<vmem>>, vector<16xi32>,
        tpu.vector_store %arg13[%swap3A_324], %select_n3A_321 {strides = array<i32>} : memref<128xi32, #tpu.memory_space<vmem>>, vector<16xi32>,
        %mul3A_326 = arith.constant 128 : i32
        %mul3A_327 = arith.muli %while3A_161, %mul3A_326 : i32
        %add3A_328 = arith.constant 80 : i32
        %add3A_329 = arith.addi %mul3A_327, %add3A_328 : i32
        %add3A_330 = arith.addi %reduce_sum3A_143, %add3A_329 : i32
        %get3A_331 = arith.index_cast %add3A_330 : i32 to index
        %get3A_332 = tpu.vector_load %arg8[%get3A_331] {strides = array<i32>} : memref<16384xi32, #tpu.memory_space<vmem>>, vector<16xi32>,
        %add3A_333 = vector.broadcast %add3A_329 : i32 to vector<16xi32>
        %add3A_334 = arith.addi %add3A_333, %iota3A : vector<16xi32>
        %lt3A_335 = vector.broadcast %reduce_sum3A_134 : i32 to vector<16xi32>
        %lt3A_336 = arith.cmpi slt, %add3A_334, %lt3A_335 : vector<16xi32>
        %and3A_337 = arith.constant 262143 : i32
        %and3A_338 = vector.broadcast %and3A_337 : i32 to vector<16xi32>
        %and3A_339 = arith.andi %get3A_332, %and3A_338 : vector<16xi32>
        %mul3A_340 = arith.constant 16 : i32
        %mul3A_341 = arith.muli %arg1, %mul3A_340 : i32
        %add3A_342 = vector.broadcast %mul3A_341 : i32 to vector<16xi32>
        %add3A_343 = arith.addi %add3A_342, %add3A_334 : vector<16xi32>
        %and3A_344 = arith.constant 262143 : i32
        %and3A_345 = vector.broadcast %and3A_344 : i32 to vector<16xi32>
        %and3A_346 = arith.andi %add3A_343, %and3A_345 : vector<16xi32>
        %select_n3A_347 = arith.select %lt3A_336, %and3A_339, %and3A_346 : vector<16xi1>, vector<16xi32>
        %shift_right_logical3A_348 = arith.constant 18 : i32
        %shift_right_logical3A_349 = vector.broadcast %shift_right_logical3A_348 : i32 to vector<16xi32>
        %shift_right_logical3A_350 = arith.shrui %get3A_332, %shift_right_logical3A_349 : vector<16xi32>
        %add3A_351 = arith.constant 8192 : i32
        %add3A_352 = arith.addi %add3A_351, %arg1 : i32
        %broadcast_in_dim3A_353 = vector.broadcast %add3A_352 : i32 to vector<16xi32>
        %select_n3A_354 = arith.select %lt3A_336, %shift_right_logical3A_350, %broadcast_in_dim3A_353 : vector<16xi1>, vector<16xi32>
        %swap3A_355 = arith.constant 80 : index
        %swap3A_356 = tpu.vector_load %arg12[%swap3A_355] {strides = array<i32>} : memref<128xi32, #tpu.memory_space<vmem>>, vector<16xi32>,
        tpu.vector_store %arg12[%swap3A_355], %select_n3A_347 {strides = array<i32>} : memref<128xi32, #tpu.memory_space<vmem>>, vector<16xi32>,
        %swap3A_357 = arith.constant 80 : index
        %swap3A_358 = tpu.vector_load %arg13[%swap3A_357] {strides = array<i32>} : memref<128xi32, #tpu.memory_space<vmem>>, vector<16xi32>,
        tpu.vector_store %arg13[%swap3A_357], %select_n3A_354 {strides = array<i32>} : memref<128xi32, #tpu.memory_space<vmem>>, vector<16xi32>,
        %mul3A_359 = arith.constant 128 : i32
        %mul3A_360 = arith.muli %while3A_161, %mul3A_359 : i32
        %add3A_361 = arith.constant 96 : i32
        %add3A_362 = arith.addi %mul3A_360, %add3A_361 : i32
        %add3A_363 = arith.addi %reduce_sum3A_143, %add3A_362 : i32
        %get3A_364 = arith.index_cast %add3A_363 : i32 to index
        %get3A_365 = tpu.vector_load %arg8[%get3A_364] {strides = array<i32>} : memref<16384xi32, #tpu.memory_space<vmem>>, vector<16xi32>,
        %add3A_366 = vector.broadcast %add3A_362 : i32 to vector<16xi32>
        %add3A_367 = arith.addi %add3A_366, %iota3A : vector<16xi32>
        %lt3A_368 = vector.broadcast %reduce_sum3A_134 : i32 to vector<16xi32>
        %lt3A_369 = arith.cmpi slt, %add3A_367, %lt3A_368 : vector<16xi32>
        %and3A_370 = arith.constant 262143 : i32
        %and3A_371 = vector.broadcast %and3A_370 : i32 to vector<16xi32>
        %and3A_372 = arith.andi %get3A_365, %and3A_371 : vector<16xi32>
        %mul3A_373 = arith.constant 16 : i32
        %mul3A_374 = arith.muli %arg1, %mul3A_373 : i32
        %add3A_375 = vector.broadcast %mul3A_374 : i32 to vector<16xi32>
        %add3A_376 = arith.addi %add3A_375, %add3A_367 : vector<16xi32>
        %and3A_377 = arith.constant 262143 : i32
        %and3A_378 = vector.broadcast %and3A_377 : i32 to vector<16xi32>
        %and3A_379 = arith.andi %add3A_376, %and3A_378 : vector<16xi32>
        %select_n3A_380 = arith.select %lt3A_369, %and3A_372, %and3A_379 : vector<16xi1>, vector<16xi32>
        %shift_right_logical3A_381 = arith.constant 18 : i32
        %shift_right_logical3A_382 = vector.broadcast %shift_right_logical3A_381 : i32 to vector<16xi32>
        %shift_right_logical3A_383 = arith.shrui %get3A_365, %shift_right_logical3A_382 : vector<16xi32>
        %add3A_384 = arith.constant 8192 : i32
        %add3A_385 = arith.addi %add3A_384, %arg1 : i32
        %broadcast_in_dim3A_386 = vector.broadcast %add3A_385 : i32 to vector<16xi32>
        %select_n3A_387 = arith.select %lt3A_369, %shift_right_logical3A_383, %broadcast_in_dim3A_386 : vector<16xi1>, vector<16xi32>
        %swap3A_388 = arith.constant 96 : index
        %swap3A_389 = tpu.vector_load %arg12[%swap3A_388] {strides = array<i32>} : memref<128xi32, #tpu.memory_space<vmem>>, vector<16xi32>,
        tpu.vector_store %arg12[%swap3A_388], %select_n3A_380 {strides = array<i32>} : memref<128xi32, #tpu.memory_space<vmem>>, vector<16xi32>,
        %swap3A_390 = arith.constant 96 : index
        %swap3A_391 = tpu.vector_load %arg13[%swap3A_390] {strides = array<i32>} : memref<128xi32, #tpu.memory_space<vmem>>, vector<16xi32>,
        tpu.vector_store %arg13[%swap3A_390], %select_n3A_387 {strides = array<i32>} : memref<128xi32, #tpu.memory_space<vmem>>, vector<16xi32>,
        %mul3A_392 = arith.constant 128 : i32
        %mul3A_393 = arith.muli %while3A_161, %mul3A_392 : i32
        %add3A_394 = arith.constant 112 : i32
        %add3A_395 = arith.addi %mul3A_393, %add3A_394 : i32
        %add3A_396 = arith.addi %reduce_sum3A_143, %add3A_395 : i32
        %get3A_397 = arith.index_cast %add3A_396 : i32 to index
        %get3A_398 = tpu.vector_load %arg8[%get3A_397] {strides = array<i32>} : memref<16384xi32, #tpu.memory_space<vmem>>, vector<16xi32>,
        %add3A_399 = vector.broadcast %add3A_395 : i32 to vector<16xi32>
        %add3A_400 = arith.addi %add3A_399, %iota3A : vector<16xi32>
        %lt3A_401 = vector.broadcast %reduce_sum3A_134 : i32 to vector<16xi32>
        %lt3A_402 = arith.cmpi slt, %add3A_400, %lt3A_401 : vector<16xi32>
        %and3A_403 = arith.constant 262143 : i32
        %and3A_404 = vector.broadcast %and3A_403 : i32 to vector<16xi32>
        %and3A_405 = arith.andi %get3A_398, %and3A_404 : vector<16xi32>
        %mul3A_406 = arith.constant 16 : i32
        %mul3A_407 = arith.muli %arg1, %mul3A_406 : i32
        %add3A_408 = vector.broadcast %mul3A_407 : i32 to vector<16xi32>
        %add3A_409 = arith.addi %add3A_408, %add3A_400 : vector<16xi32>
        %and3A_410 = arith.constant 262143 : i32
        %and3A_411 = vector.broadcast %and3A_410 : i32 to vector<16xi32>
        %and3A_412 = arith.andi %add3A_409, %and3A_411 : vector<16xi32>
        %select_n3A_413 = arith.select %lt3A_402, %and3A_405, %and3A_412 : vector<16xi1>, vector<16xi32>
        %shift_right_logical3A_414 = arith.constant 18 : i32
        %shift_right_logical3A_415 = vector.broadcast %shift_right_logical3A_414 : i32 to vector<16xi32>
        %shift_right_logical3A_416 = arith.shrui %get3A_398, %shift_right_logical3A_415 : vector<16xi32>
        %add3A_417 = arith.constant 8192 : i32
        %add3A_418 = arith.addi %add3A_417, %arg1 : i32
        %broadcast_in_dim3A_419 = vector.broadcast %add3A_418 : i32 to vector<16xi32>
        %select_n3A_420 = arith.select %lt3A_402, %shift_right_logical3A_416, %broadcast_in_dim3A_419 : vector<16xi1>, vector<16xi32>
        %swap3A_421 = arith.constant 112 : index
        %swap3A_422 = tpu.vector_load %arg12[%swap3A_421] {strides = array<i32>} : memref<128xi32, #tpu.memory_space<vmem>>, vector<16xi32>,
        tpu.vector_store %arg12[%swap3A_421], %select_n3A_413 {strides = array<i32>} : memref<128xi32, #tpu.memory_space<vmem>>, vector<16xi32>,
        %swap3A_423 = arith.constant 112 : index
        %swap3A_424 = tpu.vector_load %arg13[%swap3A_423] {strides = array<i32>} : memref<128xi32, #tpu.memory_space<vmem>>, vector<16xi32>,
        tpu.vector_store %arg13[%swap3A_423], %select_n3A_420 {strides = array<i32>} : memref<128xi32, #tpu.memory_space<vmem>>, vector<16xi32>,
        "tpu.region"() ({
          %run_scoped3A = tpu.sem_alloc : memref<!tpu.dma_semaphore, #tpu.memory_space<semaphore_mem>>
          %dma_start3A = arith.constant 0 : i32
          %dma_start3A_425 = arith.constant 0 : i32
          %dma_start3A_426 = tpu.memref_slice %arg4[%dma_start3A, %dma_start3A_425] : memref<262144x128xf32, #tpu.memory_space<hbm>> -> memref<262144x128xf32, #tpu.memory_space<hbm>>
          tpu.enqueue_indirect_dma source(%dma_start3A_426 : memref<262144x128xf32, #tpu.memory_space<hbm>>) target(%arg14 : memref<128x128xf32, #tpu.memory_space<vmem>>) offsets(%arg12 : memref<128xi32, #tpu.memory_space<vmem>>) semaphore(%run_scoped3A : memref<!tpu.dma_semaphore, #tpu.memory_space<semaphore_mem>>)
          %dma_wait3A = arith.constant 0 : i32
          %dma_wait3A_427 = arith.constant 0 : i32
          %dma_wait3A_428 = tpu.memref_slice %arg4[%dma_wait3A, %dma_wait3A_427] : memref<262144x128xf32, #tpu.memory_space<hbm>> -> memref<262144x128xf32, #tpu.memory_space<hbm>>
          tpu.wait_indirect_dma semaphore(%run_scoped3A : memref<!tpu.dma_semaphore, #tpu.memory_space<semaphore_mem>>) src(%dma_wait3A_428 : memref<262144x128xf32, #tpu.memory_space<hbm>>) dst(%arg14 : memref<128x128xf32, #tpu.memory_space<vmem>>)
          tpu.yield
        }) : () -> ()
        "tpu.region"() ({
          %run_scoped3A = tpu.sem_alloc : memref<!tpu.dma_semaphore, #tpu.memory_space<semaphore_mem>>
          %dma_start3A = arith.constant 0 : i32
          %dma_start3A_425 = arith.constant 0 : i32
          %dma_start3A_426 = tpu.memref_slice %arg16[%dma_start3A, %dma_start3A_425] : memref<8208x128xf32, #tpu.memory_space<vmem_shared>> -> memref<8208x128xf32, #tpu.memory_space<vmem_shared>>
          tpu.enqueue_indirect_dma source(%arg14 : memref<128x128xf32, #tpu.memory_space<vmem>>) target(%dma_start3A_426 : memref<8208x128xf32, #tpu.memory_space<vmem_shared>>) offsets(%arg13 : memref<128xi32, #tpu.memory_space<vmem>>) semaphore(%run_scoped3A : memref<!tpu.dma_semaphore, #tpu.memory_space<semaphore_mem>>) {add = true}
          %dma_wait3A = arith.constant 0 : i32
          %dma_wait3A_427 = arith.constant 0 : i32
          %dma_wait3A_428 = tpu.memref_slice %arg16[%dma_wait3A, %dma_wait3A_427] : memref<8208x128xf32, #tpu.memory_space<vmem_shared>> -> memref<8208x128xf32, #tpu.memory_space<vmem_shared>>
          tpu.wait_indirect_dma semaphore(%run_scoped3A : memref<!tpu.dma_semaphore, #tpu.memory_space<semaphore_mem>>) src(%arg14 : memref<128x128xf32, #tpu.memory_space<vmem>>) dst(%dma_wait3A_428 : memref<8208x128xf32, #tpu.memory_space<vmem_shared>>)
          tpu.yield
        }) : () -> ()
      }
      %barrier3A_159 = arith.constant 0 : index
      tpu.barrier barrier_id(%barrier3A_159)
      %add3A_160 = arith.addi %add3A_106, %mul3A_96 : i32
      "tpu.region"() ({
        %run_scoped3A = tpu.sem_alloc : memref<!tpu.dma_semaphore, #tpu.memory_space<semaphore_mem>>
        %dma_start3A = arith.constant 0 : i32
        %dma_start3A_161 = tpu.memref_slice %arg5[%add3A_160, %dma_start3A] : memref<1048576x128xf32, #tpu.memory_space<hbm>> -> memref<512x128xf32, #tpu.memory_space<hbm>>
        %dma_start3A_162 = arith.constant 0 : i32
        %dma_start3A_163 = tpu.memref_slice %arg16[%mul3A_96, %dma_start3A_162] : memref<8208x128xf32, #tpu.memory_space<vmem_shared>> -> memref<512x128xf32, #tpu.memory_space<vmem_shared>>
        tpu.enqueue_dma source(%dma_start3A_163 : memref<512x128xf32, #tpu.memory_space<vmem_shared>>) target(%dma_start3A_161 : memref<512x128xf32, #tpu.memory_space<hbm>>) target_semaphore(%run_scoped3A : memref<!tpu.dma_semaphore, #tpu.memory_space<semaphore_mem>>)
        %dma_wait3A = arith.constant 0 : i32
        %dma_wait3A_164 = tpu.memref_slice %arg5[%add3A_160, %dma_wait3A] : memref<1048576x128xf32, #tpu.memory_space<hbm>> -> memref<512x128xf32, #tpu.memory_space<hbm>>
        %dma_wait3A_165 = arith.constant 0 : i32
        %dma_wait3A_166 = tpu.memref_slice %arg16[%mul3A_96, %dma_wait3A_165] : memref<8208x128xf32, #tpu.memory_space<vmem_shared>> -> memref<512x128xf32, #tpu.memory_space<vmem_shared>>
        tpu.wait_dma2 semaphore(%run_scoped3A : memref<!tpu.dma_semaphore, #tpu.memory_space<semaphore_mem>>) src(%dma_wait3A_166 : memref<512x128xf32, #tpu.memory_space<vmem_shared>>) dst(%dma_wait3A_164 : memref<512x128xf32, #tpu.memory_space<hbm>>)
        tpu.yield
      }) : () -> ()
    }
    %scan3A_102 = arith.constant 64 : i32
    return
  }
}

module attributes {stable_mosaic.version = 14 : i64} {
  func.func @_mm_body(%arg0: i32, %arg1: memref<16x8192xf32, #tpu.memory_space<vmem>>, %arg2: memref<64x16xf32, #tpu.memory_space<vmem>>, %arg3: memref<8192x128xf32, #tpu.memory_space<vmem>>, %arg4: memref<64x8192xf32, #tpu.memory_space<vmem>>) attributes {dimension_semantics = [#tpu.dimension_semantics<arbitrary>], iteration_bounds = array<i64: 128>, scalar_prefetch = 0 : i64, scratch_operands = 0 : i64, tpu.core_type = #tpu.core_type<tc>, window_params = [{transform_indices = @transform_0, window_bounds = array<i64: 16, 8192>}, {pipeline_mode = #tpu.pipeline_mode<synchronous>, transform_indices = @transform_1, window_bounds = array<i64: 64, 16>}, {transform_indices = @transform_2, window_bounds = array<i64: 8192, 128>}, {transform_indices = @transform_3, window_bounds = array<i64: 64, 8192>}]} {
    %get3A = arith.constant 0 : index
    %get3A_0 = arith.constant 0 : index
    %get3A_1 = vector.load %arg2[%get3A, %get3A_0] : memref<64x16xf32, #tpu.memory_space<vmem>>, vector<64x16xf32>
    %get3A_2 = arith.constant 0 : index
    %get3A_3 = arith.constant 0 : index
    %get3A_4 = vector.load %arg1[%get3A_2, %get3A_3] : memref<16x8192xf32, #tpu.memory_space<vmem>>, vector<16x8192xf32>
    %dot_general3A = arith.constant dense<0.000000e+00> : vector<64x8192xf32>
    %dot_general3A_5 = tpu.matmul %get3A_1, %get3A_4, %dot_general3A {dimension_numbers = #tpu.dot_dimension_numbers<[1], [0], [0], [1], [0, 0, 1, 1], [], []>, transpose_lhs_hint = false} : vector<64x16xf32>, vector<16x8192xf32>, vector<64x8192xf32> -> vector<64x8192xf32>
    %iota3A = tpu.iota {dimensions = array<i32: 0>} : vector<64x64xi32>
    %iota3A_6 = tpu.iota {dimensions = array<i32: 1>} : vector<64x64xi32>
    %eq3A = arith.cmpi eq, %iota3A, %iota3A_6 : vector<64x64xi32>
    %convert_element_type3A = arith.extui %eq3A : vector<64x64xi1> to vector<64x64xi32>
    %convert_element_type3A_7 = arith.sitofp %convert_element_type3A : vector<64x64xi32> to vector<64x64xf32>
    %get3A_8 = arith.constant 0 : index
    %get3A_9 = arith.constant 0 : index
    %get3A_10 = vector.load %arg3[%get3A_8, %get3A_9] : memref<8192x128xf32, #tpu.memory_space<vmem>>, vector<8192x64xf32>
    %dot_general3A_11 = arith.constant dense<0.000000e+00> : vector<64x8192xf32>
    %dot_general3A_12 = tpu.matmul %convert_element_type3A_7, %get3A_10, %dot_general3A_11 {dimension_numbers = #tpu.dot_dimension_numbers<[1], [1], [0], [0], [0, 0, 1, 0], [], []>, transpose_lhs_hint = false} : vector<64x64xf32>, vector<8192x64xf32>, vector<64x8192xf32> -> vector<64x8192xf32>
    %add3A = arith.addf %dot_general3A_5, %dot_general3A_12 : vector<64x8192xf32>
    %swap3A = arith.constant 0 : index
    %swap3A_13 = arith.constant 0 : index
    %swap3A_14 = vector.load %arg4[%swap3A, %swap3A_13] : memref<64x8192xf32, #tpu.memory_space<vmem>>, vector<64x8192xf32>
    tpu.vector_store %arg4[%swap3A, %swap3A_13], %add3A {strides = array<i32>} : memref<64x8192xf32, #tpu.memory_space<vmem>>, vector<64x8192xf32>,
    return
  }
  func.func @transform_0(%arg0: i32) -> (i32, i32) {
    %c0_i32 = arith.constant 0 : i32
    %c0_i32_0 = arith.constant 0 : i32
    return %c0_i32, %arg0 : i32, i32
  }
  func.func @transform_1(%arg0: i32) -> (i32, i32) {
    %c0_i32 = arith.constant 0 : i32
    %c0_i32_0 = arith.constant 0 : i32
    %c0_i32_1 = arith.constant 0 : i32
    return %c0_i32, %c0_i32_0 : i32, i32
  }
  func.func @transform_2(%arg0: i32) -> (i32, i32) {
    %c0_i32 = arith.constant 0 : i32
    %c0_i32_0 = arith.constant 0 : i32
    return %arg0, %c0_i32 : i32, i32
  }
  func.func @transform_3(%arg0: i32) -> (i32, i32) {
    %c0_i32 = arith.constant 0 : i32
    %c0_i32_0 = arith.constant 0 : i32
    return %c0_i32, %arg0 : i32, i32
  }
}

</mosaic_0001>

<sc_bundles>
// kernel: kernel.4.cloned.1.call-start
scs
__scs_entry_jumppad:
0x0: {  	(pc) =	sbr.rel $0x88, $3  }
0x1: {  	(tag) =	ssettag $0x0;
	lr =	simm.s32 $0x1  }
0x2: {  	[smem:$0x3F9D] =	sst lr;
	_ =	strace $0xD0000000  }
0x3: {  	_ = 	snop  }
0x4: {  	_ = 	snop  }
0x5: {  	_ = 	snop  }
0x6: {  	_ = 	snop  }
0x7: {  	_ = 	snop  }
__scs_overlays_trampoline_lowered:
0x8: {  	[smem:$0x3FAC] =	sst s0  }
0x9: {  	[smem:$0x3FAD] =	sst s1  }
0xa: {  	[smem:$0x3FAE] =	sst s2  }
0xb: {  	[smem:$0x3FAF] =	sst s3  }
0xc: {  	[smem:$0x3FB0] =	sst s4  }
0xd: {  	[smem:$0x3FB1] =	sst s5  }
0xe: {  	[smem:$0x3FB2] =	sst s6  }
0xf: {  	[smem:$0x3FB3] =	sst s7  }
0x10: {  	[smem:$0x3FB4] =	sst s8  }
0x11: {  	[smem:$0x3FB5] =	sst s9;
	s0 =	simm.s32 @!p0 $0x0  }
0x12: {  	s1 =	sld [smem:$0x3F9B];
	s0 =	simm.s32 @p0 $0x1  }
0x13: {  	[smem:$0x3FB6] =	sst s0;
	s0 =	simm.s32 @!p1 $0x0  }
0x14: {  	s2 =	sld [smem:$0x3F9A];
	s0 =	simm.s32 @p1 $0x1  }
0x15: {  	[smem:$0x3FB7] =	sst s0;
	s0 =	simm.s32 @!p2 $0x0  }
0x16: {  	s3 =	sld [smem:$0x3FDB];
	s0 =	simm.s32 @p2 $0x1  }
0x17: {  	s4 =	simm.s32 $0x1BF5;
	[smem:$0x3FB9] =	sst s0  }
0x18: {  	s0 =	sld [smem:$0x3F9C];
	_ =	swait.ge [sflag:s4], $0x0  }
0x19: {  	s7 =	sld [smem:$0x3F9D]  }
0x1a: {  	s8 =	sadd.s32 $0xFFFFE003, lr  }
0x1b: {  	s9 =	sadd.s32 $0xFFFFFEF7, lr;
	s5 =	simm.s32 $0xFFFFFFFF;
	p2 =	slt.u32 s8, $0xFFFFF086  }
0x1c: {  	p1 =	slt.u32 s9, $0xF7A;
	s5 =	simm.s32 @!p2 $0x0  }
0x1d: {  	s5 =	simm.s32 @p1 $0x1;
	p0 =	seq.s32 s7, s2  }
0x1e: {  	s7 =	smul.u32 @!p0 $0xF7A, s2;
	p2 =	seq.s32 @!p0 s5, $0x0  }
0x1f: {  	s9 =	smul.u32 $0xF7A, s1;
	s8 =	simm.s32 @!p0 $0x1BF5;
	p2 =	por !p2, p0  }
0x20: {  	[sflag:s8] =	ssyncset.s32 @!p0 $0xFFFFF086;
	s6 =	sadd.s32 @!p0 s3, s7;
	s7 =	simm.s32 @!p0 $0x108  }
0x21: {  	s3 =	sadd.s32 s3, s9;
	s6 =	sadd.s32 @!p0 $0x88, s6;
	s7 =	simm.s32 @p2 $0x1082  }
0x22: {  	[simem:s7], [sflag:s8] =	dma.local @!p0 [hbm:s6], $0xF7A  }
0x23: {  	s9 =	sor.u32 $0xD0000000, s2;
	s6 =	simm.s32 $0x108;
	_ =	swait.ge @!p0 [sflag:s8], $0x0  }
0x24: {  	s3 =	sadd.s32 $0x88, s3;
	s6 =	simm.s32 @!p1 $0x1082;
	[sflag:s4] =	ssyncset.s32 $0xFFFFF086  }
0x25: {  	[simem:s6], [sflag:s4] =	dma.local [hbm:s3], $0xF7A  }
0x26: {  	[smem:$0x3F9D] =	sst s1;
	(tag) =	ssettag s2;
	_ =	strace s9  }
0x27: {  	s1 =	sld [smem:$0x3FAD]  }
0x28: {  	s2 =	sld [smem:$0x3FAE]  }
0x29: {  	s4 =	sld [smem:$0x3FB0]  }
0x2a: {  	p0 =	seq.s32 s5, $0x0;
	s5 =	sld [smem:$0x3FB1]  }
0x2b: {  	s6 =	sld [smem:$0x3FB2]  }
0x2c: {  	s7 =	sld [smem:$0x3FB3]  }
0x2d: {  	s3 =	simm.s32 $0x108;
	s8 =	sld [smem:$0x3FB4]  }
0x2e: {  	s3 =	simm.s32 @!p0 $0x1082;
	s9 =	sld [smem:$0x3FB5]  }
0x2f: {  	lr =	sadd.s32 s0, s3;
	s0 =	sld [smem:$0x3FAC]  }
0x30: {  	s3 =	sld [smem:$0x3FAF]  }
0x31: {  	[smem:$0x3FB8] =	sst s10  }
0x32: {  	s10 =	sld [smem:$0x3FB6];
	_ =	sdelay $0x3  }
0x33: {  	p0 =	seq.s32 s10, $0x1;
	s10 =	sld [smem:$0x3FB8];
	_ =	sdelay $0x3  }
0x34: {  	[smem:$0x3FB8] =	sst s10  }
0x35: {  	s10 =	sld [smem:$0x3FB7];
	_ =	sdelay $0x3  }
0x36: {  	p1 =	seq.s32 s10, $0x1;
	s10 =	sld [smem:$0x3FB8];
	_ =	sdelay $0x3  }
0x37: {  	[smem:$0x3FB8] =	sst s10  }
0x38: {  	s10 =	sld [smem:$0x3FB9]  }
0x39: {  	_ = 	snop;
	(pc) =	sbr.ind lr, $3  }
0x3a: {  	_ = 	snop  }
0x3b: {  	_ = 	snop  }
0x3c: {  	p2 =	seq.s32 s10, $0x1;
	s10 =	sld [smem:$0x3FB8]  }
0x3d: {  	_ =	shalt  }
0x3e: {  	_ =	shalt  }
0x3f: {  	_ =	shalt  }
0x40: {  	_ =	shalt  }
0x41: {  	_ =	shalt  }
0x42: {  	_ =	shalt  }
0x43: {  	_ =	shalt  }
0x44: {  	_ =	shalt  }
0x45: {  	_ =	shalt  }
0x46: {  	_ =	shalt  }
0x47: {  	_ =	shalt  }
0x48: {  	_ =	shalt  }
0x49: {  	_ =	shalt  }
0x4a: {  	_ =	shalt  }
0x4b: {  	_ =	shalt  }
0x4c: {  	_ =	shalt  }
0x4d: {  	_ =	shalt  }
0x4e: {  	_ =	shalt  }
0x4f: {  	_ =	shalt  }
0x50: {  	_ =	shalt  }
0x51: {  	_ =	shalt  }
0x52: {  	_ =	shalt  }
0x53: {  	_ =	shalt  }
0x54: {  	_ =	shalt  }
0x55: {  	_ =	shalt  }
0x56: {  	_ =	shalt  }
0x57: {  	_ =	shalt  }
0x58: {  	_ =	shalt  }
0x59: {  	_ =	shalt  }
0x5a: {  	_ =	shalt  }
0x5b: {  	_ =	shalt  }
0x5c: {  	_ =	shalt  }
0x5d: {  	_ =	shalt  }
0x5e: {  	_ =	shalt  }
0x5f: {  	_ =	shalt  }
0x60: {  	_ =	shalt  }
0x61: {  	_ =	shalt  }
0x62: {  	_ =	shalt  }
0x63: {  	_ =	shalt  }
0x64: {  	_ =	shalt  }
0x65: {  	_ =	shalt  }
0x66: {  	_ =	shalt  }
0x67: {  	_ =	shalt  }
0x68: {  	_ =	shalt  }
0x69: {  	_ =	shalt  }
0x6a: {  	_ =	shalt  }
0x6b: {  	_ =	shalt  }
0x6c: {  	_ =	shalt  }
0x6d: {  	_ =	shalt  }
0x6e: {  	_ =	shalt  }
0x6f: {  	_ =	shalt  }
0x70: {  	_ =	shalt  }
0x71: {  	_ =	shalt  }
0x72: {  	_ =	shalt  }
0x73: {  	_ =	shalt  }
0x74: {  	_ =	shalt  }
0x75: {  	_ =	shalt  }
0x76: {  	_ =	shalt  }
0x77: {  	_ =	shalt  }
0x78: {  	_ =	shalt  }
0x79: {  	_ =	shalt  }
0x7a: {  	_ =	shalt  }
0x7b: {  	_ =	shalt  }
0x7c: {  	_ =	shalt  }
0x7d: {  	_ =	shalt  }
0x7e: {  	_ =	shalt  }
0x7f: {  	_ =	shalt  }
0x80: {  	_ =	shalt  }
0x81: {  	_ =	shalt  }
0x82: {  	_ =	shalt  }
0x83: {  	_ =	shalt  }
0x84: {  	_ =	shalt  }
0x85: {  	_ =	shalt  }
0x86: {  	_ =	shalt  }
0x87: {  	_ =	shalt  }
.Lfunc_end0:
.L_simem_size_0:
called_computation_lowered:
.L_overlay_start_0:
0x88: {  	s2 =	sld [smem:$0x3FD9]  }
0x89: {  	s3 =	sld [smem:$0x3FFE];
	_ =	sdelay $0x1  }
0x8a: {  	s1 =	srdreg.scid  }
0x8b: {  	s0 =	sand.u32 $0x1, s1  }
0x8c: {  	s16 =	sshll.u32 s0, $0xA;
	s2 =	sadd.s32 s3, s2  }
0x8d: {  	s2 =	sadd.s32 s2, s16  }
0x8e: {  	[smem:$0x3FC4] =	sst s2  }
0x8f: {  	_ = 	snop  }
0x90: {  	(tm) =	ssettm $0x1  }
0x91: {  	s17 =	sld [smem:$0x3FFB];
	_ =	sdelay $0x3  }
0x92: {  	_ =	strace s17  }
0x93: {  	s2 =	sld [smem:$0x3FFC];
	_ =	sdelay $0x3  }
0x94: {  	_ =	strace s2  }
0x95: {  	s2 =	sld [smem:$0x3FFD];
	_ =	sdelay $0x3  }
0x96: {  	_ =	strace s2  }
0x97: {  	_ =	strace $0x8FFFFFFF  }
0x98: {  	s18 =	sld [smem:$0x3FDB];
	_ =	sdelay $0x1  }
0x99: {  	s19 =	simm.s32 $_scs_section_size  }
0x9a: {  	s4 =	simm.s32 $_size__tile_overlayer_lowered;
	s5 =	simm.s32 $_tile_overlayer_lowered  }
0x9b: {  	s22 =	simm.s32 $0x1BFF;
	s21 =	sshll.u32 s5, $0x1;
	s2 =	sadd.s32 s19, s18  }
0x9c: {  	s6 =	simm.s32 $0x0;
	s20 =	sshll.u32 s4, $0x1;
	s4 =	sadd.s32 s21, s2  }
0x9d: {  	[timem:s6], [sflag:s22] =	dma.local [hbm:s4], s20  }
0x9e: {  	_ =	swait.ge [sflag:s22], s20  }
0x9f: {  	s3 =	ssub.s32 $0x0, s20;
	[sflag:s22] =	ssyncset.done $0x0  }
0xa0: {  	[sflag:s22] =	ssyncadd.s32 s3;
	_ =	sdelay $0x1  }
0xa1: {  	s23 =	simm.s32 $0x1B8B  }
0xa2: {  	_ =	swait.ge [sflag:s23], $0x1  }
0xa3: {  	[sflag:s23] =	ssyncset.done $0x0  }
0xa4: {  	s25 =	simm.s32 $0x1B8E;
	s24 =	sld [smem:$0x3FFE];
	[sflag:s23] =	ssyncadd.s32 $0xFFFFFFFF  }
0xa5: {  	s26 =	simm.s32 $execute0_lowered;
	[smem:$0x3FD2] =	sst s25  }
0xa6: {  	s4 =	sshll.u32 s26, $0x1;
	_ =	strace $0x80000046;
	[dreg:$0x1] =	wrdreg $0xFFFFFFFF  }
0xa7: {  	s28 =	simm.s32 $_size_execute0_lowered;
	s2 =	sadd.s32 s2, s4;
	[dreg:$0x0] =	wrdreg $0x0  }
0xa8: {  	s4 =	sshll.u32 s28, $0x1;
	[dreg:$0x2] =	wrdreg s2  }
0xa9: {  	[dreg:$0x3] =	wrdreg s4  }
0xaa: {  	[dreg:$0x4] =	wrdreg $0xC0  }
0xab: {  	_ =	task [dreg:s6], $0x5FFFF  }
0xac: {  	[dreg:$0x1] =	wrdreg $0xFFFFFFFF  }
0xad: {  	[dreg:$0x0] =	wrdreg $0x60  }
0xae: {  	[dreg:$0x2] =	wrdreg s24  }
0xaf: {  	[dreg:$0x3] =	wrdreg $0xC2800  }
0xb0: {  	[dreg:$0x4] =	wrdreg $0x9  }
0xb1: {  	_ =	task.clear_ibuf [dreg:s6], $0x5FFFF;
	_ =	strace $0x90000046  }
0xb2: {  	s29 =	simm.s32 $0x9;
	_ =	strace $0x80000048  }
0xb3: {  	_ =	swait.ge [sflag:s29], $0x1  }
0xb4: {  	[sflag:s29] =	ssyncadd.s32 $0xFFFFFFFF  }
0xb5: {  	_ =	strace $0x90000048  }
0xb6: {  	_ =	sfence  }
0xb7: {  	s30 =	sld [smem:$0x0];
	_ =	sdelay $0x2  }
0xb8: {  	s31 =	sshll.u32 s1, $0xD;
	s1 =	sshrl.u32 s1, $0x2  }
0xb9: {  	s3 =	sand.u32 $0x4000, s31;
	s1 =	sadd.s32 s1, s30  }
0xba: {  	s0 =	sor.u32 s3, s0;
	s1 =	sshll.u32 s1, $0x11  }
0xbb: {  	s0 =	sor.u32 s1, s0  }
0xbc: {  	s0 =	sadd.s32 $0x8F2B, s0  }
0xbd: {  	[sflag:s0] =	ssyncadd.remote.s32 $0x1  }
0xbe: {  	_ =	sfence.sel $0xFFFF  }
0xbf: {  	[dreg:$0x0] =	wrdreg $0xFFFFFFFF;
	(pc) =	sbr.abs _section_cstart, $3  }
0xc0: {  	[dreg:$0x1] =	wrdreg $0xFFFFFFFF  }
0xc1: {  	_ =	task.clear_ibuf [dreg:s6], $0x2FFFF;
	_ =	strace $0x9FFFFFFF  }
0xc2: {  	(tm) =	ssettm $0x7FFFFFFF  }
0xc3: {  	_ =	shalt  }
tec
execute0_lowered:
.L_overlay_start_1:
0x0: {  	(tag) =	ssettag $0x1  }
0x1: {  	s0 =	rddreg [dreg:$0x0]  }
0x2: {  	s1 =	rddreg [dreg:$0x1];
	s2 =	simm.s32 $0x0  }
0x3: {  	s20 =	srdreg.scid;
	s4 =	stileid.u32;
	s28 =	simm.s32 $0x1000  }
0x4: {  	s29 =	simm.s32 $0x6000;
	s30 =	simm.s32 $0x6100;
	s31 =	simm.s32 $0x2000  }
0x5: {  	[smem:$0x7FF] =	sst s2;
	s3 =	sadd.s32 $0x8A00, s0;
	s2 =	sand.u32 $0x1, s20  }
0x6: {  	s5 =	sadd.s32 $0xA00, s0;
	s6 =	sadd.s32 $0x10A00, s0;
	s21 =	sshll.u32 s4, $0x10  }
0x7: {  	s15 =	sshll.u32 s4, $0xD;
	s17 =	sshll.u32 s4, $0xB;
	_ =	strace $0x80000047  }
0x8: {  	s7 =	ssub.s32 $0x2, s2;
	s8 =	sshll.u32 s2, $0x17;
	s2 =	sshll.u32 s2, $0x13  }
0x9: {  	s23 =	sor.u32 $0x200, s17;
	s24 =	sadd.s32 s3, s17;
	s25 =	sadd.s32 s5, s17  }
0xa: {  	s18 =	sor.u32 $0x400, s17;
	s19 =	sor.u32 $0x600, s17;
	s17 =	simm.s32 $0x6280  }
0xb: {  	s9 =	sshrl.u32 s7, $0x1;
	s0 =	sadd.s32 s8, s0;
	[dreg:$0x4] =	wrdreg s24  }
0xc: {  	s8 =	sadd.s32 s21, s1;
	[dreg:$0x5] =	wrdreg s25;
	s26 =	sadd.s32 s3, s23  }
0xd: {  	s20 =	sadd.s32 s3, s18;
	s21 =	sadd.s32 s3, s19;
	s24 =	sor.u32 $0x2000, s4  }
0xe: {  	v0 =	vmov s2;
	s2 =	simm.s32 $0x80;
	s16 =	ssub.s32 s7, s9;
	s7 =	sshll.u32 s4, $0xE  }
0xf: {  	s9 =	sadd.s32 $0x2000, s8;
	s10 =	sadd.s32 $0x4000, s8;
	s11 =	sadd.s32 $0x6000, s8  }
0x10: {  	s12 =	sadd.s32 $0x8000, s8;
	s13 =	sadd.s32 $0xA000, s8;
	[dreg:$0x6] =	wrdreg s26  }
0x11: {  	s14 =	sadd.s32 $0xC000, s8;
	s0 =	sadd.s32 s15, s0;
	[dreg:$0x8] =	wrdreg s20  }
0x12: {  	[dreg:$0xa] =	wrdreg s21;
	s25 =	sadd.s32 $0xE000, s8;
	s26 =	simm.s32 $0x1  }
.Ltmp0:
0x13: {  	s20 =	simm.s32 $0x0;
	s22 =	smax.u32 s16, $0x1;
	(pc) =	sbr.rel .LBB2_1-.Ltmp0, $4  }
0x14: {  	s15 =	sadd.s32 $0x410A00, s0;
	s0 =	sadd.s32 s5, s23;
	[dreg:$0x3] =	wrdreg s22  }
0x15: {  	v4 =	vimm.s32 $0x0;
	s23 =	sshll.u32 s4, $0x4;
	[dreg:$0x7] =	wrdreg s0;
	s0 =	sadd.s32 s5, s18  }
0x16: {  	v5 =	vlaneseq.u32;
	v6 =	vimm.f32 $0.0e+00;
	v3 =	vsub.s32 $0x0, v0;
	s16 =	simm.s32 $0x6180;
	s22 =	sadd.s32 s5, s19;
	[dreg:$0x9] =	wrdreg s0  }
0x17: {  	v2 =	vmov s24;
	v3 =	vbroadcast v3, $0x0;
	v1 =	vmov s23;
	s18 =	simm.s32 $0x6200;
	[dreg:$0xb] =	wrdreg s22;
	s0 =	simm.s32 $0xA280  }
.LBB2_21:
0x18: {  	s20 =	rddreg [dreg:$0xc]  }
0x19: {  	s19 =	rddreg [dreg:$0x3];
	s20 =	sadd.s32 $0x1, s20  }
0x1a: {  	p0 =	sne.s32 s20, s19  }
.Ltmp1:
0x1b: {  	_ = 	snop;
	(pc) =	sbr.rel @!p0 .LBB2_22-.Ltmp1, $1  }
0x1c: {  	_ =	sdelay $0x3  }
.LBB2_1:
0x1d: {  	[tilespmem:$0x6000] =	vst v4  }
0x1e: {  	[tilespmem:$0x6010] =	vst v4  }
0x1f: {  	[dreg:$0xc] =	wrdreg s20;
	[tilespmem:$0x6020] =	vst v4  }
0x20: {  	[tilespmem:$0x6030] =	vst v4;
	s19 =	simm.s32 $0x0;
	s23 =	rddreg [dreg:$0x4]  }
0x21: {  	[tilespmem:s19], [sflag:$0x1] =	stream.linear.gather [hbm4b:s23+s19], $0x1000, $0x38;
	[tilespmem:$0x1C300] =	vst v63  }
0x22: {  	_ =	swait.ge [sflag:s26], $0x1000  }
0x23: {  	[sflag:s26] =	ssyncset.done $0x0  }
0x24: {  	s24 =	rddreg [dreg:$0x5];
	[sflag:s26] =	ssyncadd.s32 $0xFFFFF000  }
0x25: {  	[tilespmem:s28], [sflag:$0x1] =	stream.linear.gather [hbm4b:s24+s19], $0x1000, $0x38;
	[tilespmem:$0x1C300] =	vst v63  }
0x26: {  	_ =	swait.ge [sflag:s26], $0x1000  }
0x27: {  	[sflag:s26] =	ssyncset.done $0x0  }
0x28: {  	s21 =	simm.s32 $0x0;
	s20 =	simm.s32 $0x40;
	[sflag:s26] =	ssyncadd.s32 $0xFFFFF000  }
.LBB2_2:
0x29: {  	p0 =	sne.s32 s20, $0x3FC0;
	v7 =	vld [tilespmem:s21+$0x0];
	_ =	sdelay $0x4  }
0x2a: {  	v7 =	vshll.u32 v7, $0x6  }
0x2b: {  	v7 =	vadd.s32 v3, v7  }
0x2c: {  	vm0 =	vlt.u32 v7, $0x80000;
	v7 =	vshrl.u32 v7, $0xD  }
0x2d: {  	v7 =	vnsel vm0, $0x0, v7  }
0x2e: {  	(xrf1) =	vunique.msk.u32 vm0, v7;
	_ =	sdelay $0xd  }
0x2f: {  	_, v8, vm1 =	vpop (xrf1)  }
0x30: {  	vm0 =	vmand vm0, vm1;
	_ =	sdelay $0x1  }
.Ltmp2:
0x31: {  	(pc) =	sbr.rel @p0 .LBB2_2-.Ltmp2, $2  }
0x32: {  	_ =	sdelay $0x2  }
0x33: {  	s21 =	sshra.s32 s20, $0x2;
	s20 =	sadd.s32 $0x40, s20;
	[tilespmem:v7+s29+$0x0] =	vst.idx.add.s32.msk vm0, v8  }
0x34: {  	v7 =	vld [tilespmem:s21+$0x0];
	_ =	sdelay $0x4  }
0x35: {  	v7 =	vshll.u32 v7, $0x6  }
0x36: {  	v7 =	vadd.s32 v3, v7  }
0x37: {  	vm0 =	vlt.u32 v7, $0x80000;
	v7 =	vshrl.u32 v7, $0xD  }
0x38: {  	v7 =	vnsel vm0, $0x0, v7  }
0x39: {  	(xrf1) =	vunique.msk.u32 vm0, v7;
	_ =	sdelay $0xd  }
0x3a: {  	_, v8, vm1 =	vpop (xrf1)  }
0x3b: {  	vm0 =	vmand vm0, vm1;
	_ =	sdelay $0x5  }
0x3c: {  	s20 =	simm.s32 $0x0;
	s19 =	rddreg [dreg:$0x6];
	[tilespmem:v7+s29+$0x0] =	vst.idx.add.s32.msk vm0, v8  }
0x3d: {  	[tilespmem:s20], [sflag:$0x1] =	stream.linear.gather [hbm4b:s19+s20], $0x1000, $0x38;
	[tilespmem:$0x1C300] =	vst v63  }
0x3e: {  	_ =	swait.ge [sflag:s26], $0x1000  }
0x3f: {  	[sflag:s26] =	ssyncset.done $0x0  }
0x40: {  	s24 =	rddreg [dreg:$0x7];
	[sflag:s26] =	ssyncadd.s32 $0xFFFFF000  }
0x41: {  	[tilespmem:s28], [sflag:$0x1] =	stream.linear.gather [hbm4b:s24+s20], $0x1000, $0x38;
	[tilespmem:$0x1C300] =	vst v63  }
0x42: {  	_ =	swait.ge [sflag:s26], $0x1000  }
0x43: {  	[sflag:s26] =	ssyncset.done $0x0  }
0x44: {  	s21 =	simm.s32 $0x0;
	s20 =	simm.s32 $0x40;
	[sflag:s26] =	ssyncadd.s32 $0xFFFFF000  }
.LBB2_4:
0x45: {  	p0 =	sne.s32 s20, $0x3FC0;
	v7 =	vld [tilespmem:s21+$0x0];
	_ =	sdelay $0x4  }
0x46: {  	v7 =	vshll.u32 v7, $0x6  }
0x47: {  	v7 =	vadd.s32 v3, v7  }
0x48: {  	vm0 =	vlt.u32 v7, $0x80000;
	v7 =	vshrl.u32 v7, $0xD  }
0x49: {  	v7 =	vnsel vm0, $0x0, v7  }
0x4a: {  	(xrf1) =	vunique.msk.u32 vm0, v7;
	_ =	sdelay $0xd  }
0x4b: {  	_, v8, vm1 =	vpop (xrf1)  }
0x4c: {  	vm0 =	vmand vm0, vm1;
	_ =	sdelay $0x1  }
.Ltmp3:
0x4d: {  	(pc) =	sbr.rel @p0 .LBB2_4-.Ltmp3, $2  }
0x4e: {  	_ =	sdelay $0x2  }
0x4f: {  	s21 =	sshra.s32 s20, $0x2;
	s20 =	sadd.s32 $0x40, s20;
	[tilespmem:v7+s29+$0x0] =	vst.idx.add.s32.msk vm0, v8  }
0x50: {  	v7 =	vld [tilespmem:s21+$0x0];
	_ =	sdelay $0x4  }
0x51: {  	v7 =	vshll.u32 v7, $0x6  }
0x52: {  	v7 =	vadd.s32 v3, v7  }
0x53: {  	vm0 =	vlt.u32 v7, $0x80000;
	v7 =	vshrl.u32 v7, $0xD  }
0x54: {  	v7 =	vnsel vm0, $0x0, v7  }
0x55: {  	(xrf1) =	vunique.msk.u32 vm0, v7;
	_ =	sdelay $0xd  }
0x56: {  	_, v8, vm1 =	vpop (xrf1)  }
0x57: {  	vm0 =	vmand vm0, vm1;
	_ =	sdelay $0x5  }
0x58: {  	s20 =	simm.s32 $0x0;
	s19 =	rddreg [dreg:$0x8];
	[tilespmem:v7+s29+$0x0] =	vst.idx.add.s32.msk vm0, v8  }
0x59: {  	[tilespmem:s20], [sflag:$0x1] =	stream.linear.gather [hbm4b:s19+s20], $0x1000, $0x38;
	[tilespmem:$0x1C300] =	vst v63  }
0x5a: {  	_ =	swait.ge [sflag:s26], $0x1000  }
0x5b: {  	[sflag:s26] =	ssyncset.done $0x0  }
0x5c: {  	s24 =	rddreg [dreg:$0x9];
	[sflag:s26] =	ssyncadd.s32 $0xFFFFF000  }
0x5d: {  	[tilespmem:s28], [sflag:$0x1] =	stream.linear.gather [hbm4b:s24+s20], $0x1000, $0x38;
	[tilespmem:$0x1C300] =	vst v63  }
0x5e: {  	_ =	swait.ge [sflag:s26], $0x1000  }
0x5f: {  	[sflag:s26] =	ssyncset.done $0x0  }
0x60: {  	s21 =	simm.s32 $0x0;
	s20 =	simm.s32 $0x40;
	[sflag:s26] =	ssyncadd.s32 $0xFFFFF000  }
.LBB2_6:
0x61: {  	p0 =	sne.s32 s20, $0x3FC0;
	v7 =	vld [tilespmem:s21+$0x0];
	_ =	sdelay $0x4  }
0x62: {  	v7 =	vshll.u32 v7, $0x6  }
0x63: {  	v7 =	vadd.s32 v3, v7  }
0x64: {  	vm0 =	vlt.u32 v7, $0x80000;
	v7 =	vshrl.u32 v7, $0xD  }
0x65: {  	v7 =	vnsel vm0, $0x0, v7  }
0x66: {  	(xrf1) =	vunique.msk.u32 vm0, v7;
	_ =	sdelay $0xd  }
0x67: {  	_, v8, vm1 =	vpop (xrf1)  }
0x68: {  	vm0 =	vmand vm0, vm1;
	_ =	sdelay $0x1  }
.Ltmp4:
0x69: {  	(pc) =	sbr.rel @p0 .LBB2_6-.Ltmp4, $2  }
0x6a: {  	_ =	sdelay $0x2  }
0x6b: {  	s21 =	sshra.s32 s20, $0x2;
	s20 =	sadd.s32 $0x40, s20;
	[tilespmem:v7+s29+$0x0] =	vst.idx.add.s32.msk vm0, v8  }
0x6c: {  	v7 =	vld [tilespmem:s21+$0x0];
	_ =	sdelay $0x4  }
0x6d: {  	v7 =	vshll.u32 v7, $0x6  }
0x6e: {  	v7 =	vadd.s32 v3, v7  }
0x6f: {  	vm0 =	vlt.u32 v7, $0x80000;
	v7 =	vshrl.u32 v7, $0xD  }
0x70: {  	v7 =	vnsel vm0, $0x0, v7  }
0x71: {  	(xrf1) =	vunique.msk.u32 vm0, v7;
	_ =	sdelay $0xd  }
0x72: {  	_, v8, vm1 =	vpop (xrf1)  }
0x73: {  	vm0 =	vmand vm0, vm1;
	_ =	sdelay $0x5  }
0x74: {  	s20 =	simm.s32 $0x0;
	s19 =	rddreg [dreg:$0xa];
	[tilespmem:v7+s29+$0x0] =	vst.idx.add.s32.msk vm0, v8  }
0x75: {  	[tilespmem:s20], [sflag:$0x1] =	stream.linear.gather [hbm4b:s19+s20], $0x1000, $0x38;
	[tilespmem:$0x1C300] =	vst v63  }
0x76: {  	_ =	swait.ge [sflag:s26], $0x1000  }
0x77: {  	[sflag:s26] =	ssyncset.done $0x0  }
0x78: {  	s24 =	rddreg [dreg:$0xb];
	[sflag:s26] =	ssyncadd.s32 $0xFFFFF000  }
0x79: {  	[tilespmem:s28], [sflag:$0x1] =	stream.linear.gather [hbm4b:s24+s20], $0x1000, $0x38;
	[tilespmem:$0x1C300] =	vst v63  }
0x7a: {  	_ =	swait.ge [sflag:s26], $0x1000  }
0x7b: {  	[sflag:s26] =	ssyncset.done $0x0  }
0x7c: {  	s21 =	simm.s32 $0x0;
	s20 =	simm.s32 $0x40;
	[sflag:s26] =	ssyncadd.s32 $0xFFFFF000  }
.LBB2_8:
0x7d: {  	p0 =	sne.s32 s20, $0x3FC0;
	v7 =	vld [tilespmem:s21+$0x0];
	_ =	sdelay $0x4  }
0x7e: {  	v7 =	vshll.u32 v7, $0x6  }
0x7f: {  	v7 =	vadd.s32 v3, v7  }
0x80: {  	vm0 =	vlt.u32 v7, $0x80000;
	v7 =	vshrl.u32 v7, $0xD  }
0x81: {  	v7 =	vnsel vm0, $0x0, v7  }
0x82: {  	(xrf1) =	vunique.msk.u32 vm0, v7;
	_ =	sdelay $0xd  }
0x83: {  	_, v8, vm1 =	vpop (xrf1)  }
0x84: {  	vm0 =	vmand vm0, vm1;
	_ =	sdelay $0x1  }
.Ltmp5:
0x85: {  	(pc) =	sbr.rel @p0 .LBB2_8-.Ltmp5, $2  }
0x86: {  	_ =	sdelay $0x2  }
0x87: {  	s21 =	sshra.s32 s20, $0x2;
	s20 =	sadd.s32 $0x40, s20;
	[tilespmem:v7+s29+$0x0] =	vst.idx.add.s32.msk vm0, v8  }
0x88: {  	v7 =	vld [tilespmem:s21+$0x0];
	_ =	sdelay $0x4  }
0x89: {  	v7 =	vshll.u32 v7, $0x6  }
0x8a: {  	v7 =	vadd.s32 v3, v7  }
0x8b: {  	vm0 =	vlt.u32 v7, $0x80000;
	v7 =	vshrl.u32 v7, $0xD  }
0x8c: {  	v7 =	vnsel vm0, $0x0, v7  }
0x8d: {  	(xrf1) =	vunique.msk.u32 vm0, v7;
	_ =	sdelay $0xd  }
0x8e: {  	_, v8, vm1 =	vpop (xrf1)  }
0x8f: {  	vm0 =	vmand vm0, vm1;
	_ =	sdelay $0x5  }
0x90: {  	[tilespmem:v7+s29+$0x0] =	vst.idx.add.s32.msk vm0, v8  }
0x91: {  	v7 =	vld [tilespmem:$0x6000]  }
0x92: {  	v8 =	vld [tilespmem:$0x6010];
	_ =	sdelay $0x1  }
0x93: {  	v9 =	vld [tilespmem:$0x6020];
	_ =	sdelay $0x1  }
0x94: {  	(xrf0) =	vadd.scan.msk.s32 $0xffff, v7  }
0x95: {  	(xrf0) =	vadd.scan.msk.s32 $0xffff, v8;
	_ =	sdelay $0x1  }
0x96: {  	(xrf0) =	vadd.scan.msk.s32 $0xffff, v9;
	_ =	sdelay $0x2  }
0x97: {  	v10, _, _ =	vpop (xrf0)  }
0x98: {  	v11, _, _ =	vpop (xrf0);
	(v2sf) =	vpush v10, $0xF  }
0x99: {  	(v2sf) =	vpush v11, $0xF  }
0x9a: {  	v12, _, _ =	vpop (xrf0)  }
0x9b: {  	(v2sf) =	vpush v12, $0xF;
	_ =	sdelay $0x3  }
0x9c: {  	v13 =	vld [tilespmem:$0x6030];
	_ =	sdelay $0x4  }
0x9d: {  	(xrf0) =	vadd.scan.msk.s32 $0xffff, v13  }
0x9e: {  	v7 =	vsub.s32 v10, v7;
	v10 =	vbroadcast v10, $0xF  }
0x9f: {  	v8 =	vsub.s32 v11, v8;
	[tilespmem:$0x6080] =	vst v7  }
0xa0: {  	[tilespmem:$0x6100] =	vst v7;
	v7 =	vadd.s32 v10, v8;
	v8 =	vsub.s32 v12, v9;
	s20 =	spop (v2sf)  }
0xa1: {  	s23 =	spop (v2sf)  }
0xa2: {  	[tilespmem:$0x6090] =	vst v7;
	s20 =	sadd.s32 s20, s23  }
0xa3: {  	[tilespmem:$0x6110] =	vst v7;
	s24 =	spop (v2sf);
	v7 =	vadd.s32 s20, v8;
	v8, _, _ =	vpop (xrf0)  }
0xa4: {  	s20 =	sadd.s32 s20, s24;
	[tilespmem:$0x60A0] =	vst v7;
	v8 =	vsub.s32 v8, v13  }
0xa5: {  	[tilespmem:$0x6120] =	vst v7;
	v7 =	vadd.s32 s20, v8  }
0xa6: {  	[tilespmem:$0x60B0] =	vst v7  }
0xa7: {  	s21 =	simm.s32 $0x0;
	s22 =	smov.u32 s7;
	s23 =	simm.s32 $0x0;
	[tilespmem:$0x6130] =	vst v7  }
.LBB2_10:
0xa8: {  	s20 =	sshll.u32 s23, $0xC  }
0xa9: {  	s20 =	sadd.s32 s7, s20  }
0xaa: {  	s20 =	sshrl.u32 s20, $0x3  }
0xab: {  	s24 =	sadd.s32 s3, s20  }
0xac: {  	[tilespmem:s21], [sflag:$0x1] =	stream.linear.gather [hbm4b:s24+s21], $0x1000, $0x38;
	[tilespmem:$0x1C300] =	vst v63  }
0xad: {  	_ =	swait.ge [sflag:s26], $0x1000  }
0xae: {  	[sflag:s26] =	ssyncset.done $0x0  }
0xaf: {  	s20 =	sadd.s32 s5, s20;
	[sflag:s26] =	ssyncadd.s32 $0xFFFFF000  }
0xb0: {  	[tilespmem:s28], [sflag:$0x1] =	stream.linear.gather [hbm4b:s20+s21], $0x1000, $0x38;
	[tilespmem:$0x1C300] =	vst v63  }
0xb1: {  	_ =	swait.ge [sflag:s26], $0x1000  }
0xb2: {  	[sflag:s26] =	ssyncset.done $0x0  }
0xb3: {  	s19 =	simm.s32 $0x0;
	[sflag:s26] =	ssyncadd.s32 $0xFFFFF000  }
0xb4: {  	v7 =	vld [tilespmem:s19+$0x1000]  }
0xb5: {  	v8 =	vld [tilespmem:s19+$0x0];
	_ =	sdelay $0x4  }
0xb6: {  	v8 =	vshll.u32 v8, $0x6;
	v7 =	vand.u32 $0x3F, v7  }
0xb7: {  	v7 =	vor.u32 v8, v7  }
0xb8: {  	v8 =	vsub.s32 v7, v0  }
0xb9: {  	vm0 =	vlt.u32 v8, $0x80000;
	v8 =	vshrl.u32 v8, $0xD  }
0xba: {  	v8 =	vnsel vm0, $0x0, v8  }
0xbb: {  	(xrf1) =	vunique.msk.u32 vm0, v8;
	_ =	sdelay $0x9  }
0xbc: {  	v9 =	vld.idx.msk [tilespmem:v8+s30+$0x0], vm0;
	_ =	sdelay $0x3  }
0xbd: {  	_, v10, vm1 =	vpop (xrf1)  }
0xbe: {  	v9 =	vadd.s32 v10, v9  }
0xbf: {  	vm1 =	vmand vm0, vm1;
	v9 =	vadd.s32 $0xFFFFFFFF, v9  }
0xc0: {  	v7 =	vshll.u32 v7, $0x12  }
0xc1: {  	v7 =	vand.u32 $0x7FFC0000, v7  }
0xc2: {  	v7 =	vor.u32 s22, v7  }
0xc3: {  	v7 =	vor.u32 v5, v7  }
0xc4: {  	[tilespmem:v9+s31+$0x0] =	vst.idx.msk vm0, v7  }
0xc5: {  	s24 =	simm.s32 $0x10;
	[tilespmem:v8+s30+$0x0] =	vst.idx.add.s32.msk vm1, v10  }
0xc6: {  	v7 =	vld [tilespmem:s24+$0x1000]  }
0xc7: {  	s20 =	smov.u32 s22;
	v8 =	vld [tilespmem:s24+$0x0];
	s24 =	simm.s32 $0x80  }
.LBB2_11:
0xc8: {  	p0 =	sne.s32 s24, $0x3FC0;
	_ =	sdelay $0x3  }
0xc9: {  	v7 =	vand.u32 $0x3F, v7;
	v8 =	vshll.u32 v8, $0x6  }
0xca: {  	v7 =	vor.u32 v8, v7  }
0xcb: {  	v8 =	vsub.s32 v7, v0  }
0xcc: {  	vm0 =	vlt.u32 v8, $0x80000;
	v8 =	vshrl.u32 v8, $0xD  }
0xcd: {  	v8 =	vnsel vm0, $0x0, v8  }
0xce: {  	(xrf1) =	vunique.msk.u32 vm0, v8;
	_ =	sdelay $0x8  }
0xcf: {  	v9 =	vld.idx.msk [tilespmem:v8+s30+$0x0], vm0;
	_ =	sdelay $0x4  }
0xd0: {  	_, v10, vm1 =	vpop (xrf1)  }
0xd1: {  	v9 =	vadd.s32 v10, v9;
	vm1 =	vmand vm0, vm1  }
0xd2: {  	v9 =	vadd.s32 $0xFFFFFFFF, v9  }
0xd3: {  	v7 =	vshll.u32 v7, $0x12  }
0xd4: {  	s20 =	sadd.s32 $0x10, s20;
	v7 =	vand.u32 $0x7FFC0000, v7  }
0xd5: {  	v7 =	vor.u32 s20, v7  }
.Ltmp6:
0xd6: {  	v7 =	vor.u32 v5, v7;
	(pc) =	sbr.rel @p0 .LBB2_11-.Ltmp6, $4  }
0xd7: {  	[tilespmem:v9+s31+$0x0] =	vst.idx.msk vm0, v7  }
0xd8: {  	s19 =	sshra.s32 s24, $0x2;
	[tilespmem:v8+s30+$0x0] =	vst.idx.add.s32.msk vm1, v10  }
0xd9: {  	v7 =	vld [tilespmem:s19+$0x1000]  }
0xda: {  	s24 =	sadd.s32 $0x40, s24;
	v8 =	vld [tilespmem:s19+$0x0]  }
0xdb: {  	_ =	sdelay $0x3  }
0xdc: {  	v7 =	vand.u32 $0x3F, v7;
	v8 =	vshll.u32 v8, $0x6  }
0xdd: {  	v7 =	vor.u32 v8, v7  }
0xde: {  	v8 =	vsub.s32 v7, v0  }
0xdf: {  	vm0 =	vlt.u32 v8, $0x80000;
	v8 =	vshrl.u32 v8, $0xD  }
0xe0: {  	v8 =	vnsel vm0, $0x0, v8  }
0xe1: {  	(xrf1) =	vunique.msk.u32 vm0, v8;
	_ =	sdelay $0x9  }
0xe2: {  	v9 =	vld.idx.msk [tilespmem:v8+s30+$0x0], vm0;
	_ =	sdelay $0x3  }
0xe3: {  	_, v10, vm1 =	vpop (xrf1)  }
0xe4: {  	v9 =	vadd.s32 v10, v9  }
0xe5: {  	s23 =	sadd.s32 $0x1, s23;
	vm1 =	vmand vm0, vm1;
	v9 =	vadd.s32 $0xFFFFFFFF, v9  }
0xe6: {  	p0 =	sne.s32 s23, $0x4;
	v7 =	vshll.u32 v7, $0x12  }
.Ltmp7:
0xe7: {  	s19 =	sadd.s32 $0x10, s20;
	v7 =	vand.u32 $0x7FFC0000, v7;
	(pc) =	sbr.rel @p0 .LBB2_10-.Ltmp7, $4  }
0xe8: {  	v7 =	vor.u32 s19, v7  }
0xe9: {  	v7 =	vor.u32 v5, v7  }
0xea: {  	[tilespmem:v9+s31+$0x0] =	vst.idx.msk vm0, v7  }
0xeb: {  	s22 =	sadd.s32 $0x1000, s22;
	s20 =	simm.s32 $0x0;
	[tilespmem:v8+s30+$0x0] =	vst.idx.add.s32.msk vm1, v10  }
0xec: {  	s21 =	sshra.s32 s20, $0x2;
	s22 =	sadd.s32 $0x200, s20  }
.LBB2_14:
0xed: {  	p0 =	sne.s32 s22, $0x7E00;
	[tilespmem:s21+$0xA2F0] =	vst v6  }
0xee: {  	[tilespmem:s21+$0xA280] =	vst v6  }
0xef: {  	[tilespmem:s21+$0xA290] =	vst v6  }
.Ltmp8:
0xf0: {  	[tilespmem:s21+$0xA2A0] =	vst v6;
	(pc) =	sbr.rel @p0 .LBB2_14-.Ltmp8, $4  }
0xf1: {  	[tilespmem:s21+$0xA2B0] =	vst v6  }
0xf2: {  	[tilespmem:s21+$0xA2C0] =	vst v6  }
0xf3: {  	[tilespmem:s21+$0xA2D0] =	vst v6  }
0xf4: {  	[tilespmem:s21+$0xA2E0] =	vst v6;
	s21 =	sshra.s32 s22, $0x2;
	s22 =	sadd.s32 $0x200, s22  }
0xf5: {  	[tilespmem:s21+$0xA2F0] =	vst v6  }
0xf6: {  	[tilespmem:s21+$0xA280] =	vst v6  }
0xf7: {  	[tilespmem:s21+$0xA290] =	vst v6  }
.Ltmp9:
0xf8: {  	[tilespmem:s21+$0xA2A0] =	vst v6;
	(pc) =	sbr.rel .LBB2_16-.Ltmp9, $4  }
0xf9: {  	[tilespmem:s21+$0xA2B0] =	vst v6  }
0xfa: {  	[tilespmem:s21+$0xA2C0] =	vst v6  }
0xfb: {  	[tilespmem:s21+$0xA2D0] =	vst v6  }
0xfc: {  	[tilespmem:s21+$0xA2E0] =	vst v6  }
.LBB2_19:
0xfd: {  	[tilespmem:$0x6270] =	vst v8  }
0xfe: {  	[tilespmem:s17], [sflag:$0x1] =	stream.indirect.gather [hbm4b:s6+s2], $0x80, s16, s2, $0xb8;
	[tilespmem:$0x1C300] =	vst v63  }
0xff: {  	_ =	swait.ge [sflag:s26], $0x4000  }
0x100: {  	[sflag:s26] =	ssyncset.done $0x0  }
0x101: {  	[sflag:s26] =	ssyncadd.s32 $0xFFFFC000  }
0x102: {  	[spmem:s1] =	stream.indirect.scatter.add.f32 [tilespmem:s17], [sflag:$0x1], $0x80, s18, s2, $0xb8;
	[tilespmem:$0x1C300] =	vst v63  }
0x103: {  	_ =	swait.ge [sflag:s26], $0x4000  }
0x104: {  	[sflag:s26] =	ssyncset.done $0x0  }
0x105: {  	[sflag:s26] =	ssyncadd.s32 $0xFFFFC000  }
.LBB2_20:
0x106: {  	[bflag:$0x0] =	sbarrier.arrive $0xFFFF;
	s19 =	sshll.u32 s20, $0x11;
	s20 =	sadd.s32 $0x1, s20  }
0x107: {  	s21 =	sshll.u32 s4, $0x6;
	s22 =	sshrl.u32 s8, $0x3;
	p0 =	sne.s32 s20, $0x40  }
.Ltmp10:
0x108: {  	s19 =	sadd.s32 s19, s15;
	s21 =	sor.u32 $0x1C01, s21;
	(pc) =	sbr.rel @!p0 .LBB2_21-.Ltmp10, $4  }
0x109: {  	[hbm:s19], [sflag:s21] =	dma.local [spmem:s22], $0x2000  }
0x10a: {  	_ =	swait.ge [sflag:s26], $0x2000  }
0x10b: {  	[sflag:s26] =	ssyncset.done $0x0  }
0x10c: {  	[sflag:s26] =	ssyncadd.s32 $0xFFFFE000  }
.LBB2_16:
0x10d: {  	[spmem:s8] =	stream.linear.scatter [tilespmem:s0], [sflag:$0x1], $0x2000, $0x38;
	[tilespmem:$0x1C300] =	vst v63  }
0x10e: {  	_ =	swait.ge [sflag:s26], $0x2000  }
0x10f: {  	[sflag:s26] =	ssyncset.done $0x0  }
0x110: {  	[sflag:s26] =	ssyncadd.s32 $0xFFFFE000  }
0x111: {  	[spmem:s9] =	stream.linear.scatter [tilespmem:s0], [sflag:$0x1], $0x2000, $0x38;
	[tilespmem:$0x1C300] =	vst v63  }
0x112: {  	_ =	swait.ge [sflag:s26], $0x2000  }
0x113: {  	[sflag:s26] =	ssyncset.done $0x0  }
0x114: {  	[sflag:s26] =	ssyncadd.s32 $0xFFFFE000  }
0x115: {  	[spmem:s10] =	stream.linear.scatter [tilespmem:s0], [sflag:$0x1], $0x2000, $0x38;
	[tilespmem:$0x1C300] =	vst v63  }
0x116: {  	_ =	swait.ge [sflag:s26], $0x2000  }
0x117: {  	[sflag:s26] =	ssyncset.done $0x0  }
0x118: {  	[sflag:s26] =	ssyncadd.s32 $0xFFFFE000  }
0x119: {  	[spmem:s11] =	stream.linear.scatter [tilespmem:s0], [sflag:$0x1], $0x2000, $0x38;
	[tilespmem:$0x1C300] =	vst v63  }
0x11a: {  	_ =	swait.ge [sflag:s26], $0x2000  }
0x11b: {  	[sflag:s26] =	ssyncset.done $0x0  }
0x11c: {  	[sflag:s26] =	ssyncadd.s32 $0xFFFFE000  }
0x11d: {  	[spmem:s12] =	stream.linear.scatter [tilespmem:s0], [sflag:$0x1], $0x2000, $0x38;
	[tilespmem:$0x1C300] =	vst v63  }
0x11e: {  	_ =	swait.ge [sflag:s26], $0x2000  }
0x11f: {  	[sflag:s26] =	ssyncset.done $0x0  }
0x120: {  	[sflag:s26] =	ssyncadd.s32 $0xFFFFE000  }
0x121: {  	[spmem:s13] =	stream.linear.scatter [tilespmem:s0], [sflag:$0x1], $0x2000, $0x38;
	[tilespmem:$0x1C300] =	vst v63  }
0x122: {  	_ =	swait.ge [sflag:s26], $0x2000  }
0x123: {  	[sflag:s26] =	ssyncset.done $0x0  }
0x124: {  	[sflag:s26] =	ssyncadd.s32 $0xFFFFE000  }
0x125: {  	[spmem:s14] =	stream.linear.scatter [tilespmem:s0], [sflag:$0x1], $0x2000, $0x38;
	[tilespmem:$0x1C300] =	vst v63  }
0x126: {  	_ =	swait.ge [sflag:s26], $0x2000  }
0x127: {  	[sflag:s26] =	ssyncset.done $0x0  }
0x128: {  	[sflag:s26] =	ssyncadd.s32 $0xFFFFE000  }
0x129: {  	[spmem:s25] =	stream.linear.scatter [tilespmem:s0], [sflag:$0x1], $0x2000, $0x38;
	[tilespmem:$0x1C300] =	vst v63  }
0x12a: {  	_ =	swait.ge [sflag:s26], $0x2000  }
0x12b: {  	[sflag:s26] =	ssyncset.done $0x0  }
0x12c: {  	[sflag:s26] =	ssyncadd.s32 $0xFFFFE000  }
0x12d: {  	s21 =	sand.u32 $0x30, s20;
	[bflag:$0x0] =	sbarrier.arrive $0xFFFF  }
0x12e: {  	v7 =	vld [tilespmem:s21+$0x6000];
	_ =	sdelay $0x1  }
0x12f: {  	s19 =	sand.u32 $0xF, s20  }
0x130: {  	v8 =	vmov s19  }
0x131: {  	vm0 =	veq.s32 v8, v5  }
0x132: {  	v7 =	vnsel vm0, $0x0, v7  }
0x133: {  	(xrf0) =	vadd.scan.msk.s32 $0xffff, v7;
	_ =	sdelay $0x5  }
0x134: {  	v7, _, _ =	vpop (xrf0)  }
0x135: {  	(v2sf) =	vpush v7, $0xF;
	_ =	sdelay $0xe  }
0x136: {  	s24 =	spop (v2sf)  }
0x137: {  	s19 =	sadd.s32 $0x7F, s24  }
0x138: {  	s23 =	sshrl.u32 s19, $0x7  }
0x139: {  	p0 =	seq.s32 s23, $0x0  }
.Ltmp11:
0x13a: {  	_ = 	snop;
	(pc) =	sbr.rel @p0 .LBB2_20-.Ltmp11, $1  }
0x13b: {  	_ =	sdelay $0x3  }
0x13c: {  	v8 =	vld [tilespmem:s21+$0x6080];
	_ =	sdelay $0x4  }
0x13d: {  	v8 =	vnsel vm0, $0x0, v8  }
0x13e: {  	(xrf0) =	vadd.scan.msk.s32 $0xffff, v8;
	_ =	sdelay $0x5  }
0x13f: {  	v8, _, _ =	vpop (xrf0)  }
0x140: {  	(v2sf) =	vpush v8, $0xF;
	_ =	sdelay $0xe  }
0x141: {  	s19 =	spop (v2sf)  }
0x142: {  	s19 =	sshll.u32 s19, $0x2  }
0x143: {  	s19 =	sshra.s32 s19, $0x2  }
0x144: {  	s21 =	sadd.s32 $0x2040, s19  }
0x145: {  	v8 =	vld [tilespmem:s21+$0xFFFFFFC0];
	_ =	sdelay $0x1  }
0x146: {  	v7 =	vbroadcast v7, $0xF;
	s22 =	simm.s32 $0x0  }
0x147: {  	v9 =	vor.u32 s22, v5  }
0x148: {  	vm8 =	vlt.s32 v9, v7;
	v9 =	vadd.s32 v1, v9  }
0x149: {  	v9 =	vsel vm8, v8, v9  }
0x14a: {  	v8 =	vshrl.u32 v8, $0x12;
	v9 =	vand.u32 $0x3FFFF, v9  }
0x14b: {  	v8 =	vsel vm8, v8, v2;
	[tilespmem:$0x6180] =	vst v9  }
0x14c: {  	[tilespmem:$0x6200] =	vst v8  }
0x14d: {  	v8 =	vld [tilespmem:s21+$0xFFFFFFD0];
	_ =	sdelay $0x1  }
0x14e: {  	s24 =	simm.s32 $0x10  }
0x14f: {  	v9 =	vor.u32 s24, v5  }
0x150: {  	vm9 =	vlt.s32 v9, v7;
	v9 =	vadd.s32 v1, v9  }
0x151: {  	v9 =	vsel vm9, v8, v9  }
0x152: {  	v8 =	vshrl.u32 v8, $0x12;
	v9 =	vand.u32 $0x3FFFF, v9  }
0x153: {  	v8 =	vsel vm9, v8, v2;
	[tilespmem:$0x6190] =	vst v9  }
0x154: {  	[tilespmem:$0x6210] =	vst v8  }
0x155: {  	v8 =	vld [tilespmem:s21+$0xFFFFFFE0];
	_ =	sdelay $0x1  }
0x156: {  	s24 =	simm.s32 $0x20  }
0x157: {  	v9 =	vor.u32 s24, v5  }
0x158: {  	vm10 =	vlt.s32 v9, v7;
	v9 =	vadd.s32 v1, v9  }
0x159: {  	v9 =	vsel vm10, v8, v9  }
0x15a: {  	v8 =	vshrl.u32 v8, $0x12;
	v9 =	vand.u32 $0x3FFFF, v9  }
0x15b: {  	v8 =	vsel vm10, v8, v2;
	[tilespmem:$0x61A0] =	vst v9  }
0x15c: {  	[tilespmem:$0x6220] =	vst v8  }
0x15d: {  	v8 =	vld [tilespmem:s21+$0xFFFFFFF0];
	_ =	sdelay $0x1  }
0x15e: {  	s24 =	simm.s32 $0x30  }
0x15f: {  	v9 =	vor.u32 s24, v5  }
0x160: {  	vm11 =	vlt.s32 v9, v7;
	v9 =	vadd.s32 v1, v9  }
0x161: {  	v9 =	vsel vm11, v8, v9  }
0x162: {  	v8 =	vshrl.u32 v8, $0x12;
	v9 =	vand.u32 $0x3FFFF, v9  }
0x163: {  	v8 =	vsel vm11, v8, v2;
	[tilespmem:$0x61B0] =	vst v9  }
0x164: {  	[tilespmem:$0x6230] =	vst v8  }
0x165: {  	v8 =	vld [tilespmem:s21+$0x0];
	_ =	sdelay $0x1  }
0x166: {  	s24 =	simm.s32 $0x40  }
0x167: {  	v9 =	vor.u32 s24, v5  }
0x168: {  	vm12 =	vlt.s32 v9, v7;
	v9 =	vadd.s32 v1, v9  }
0x169: {  	v9 =	vsel vm12, v8, v9  }
0x16a: {  	v8 =	vshrl.u32 v8, $0x12;
	v9 =	vand.u32 $0x3FFFF, v9  }
0x16b: {  	v8 =	vsel vm12, v8, v2;
	[tilespmem:$0x61C0] =	vst v9  }
0x16c: {  	[tilespmem:$0x6240] =	vst v8  }
0x16d: {  	v8 =	vld [tilespmem:s21+$0x10];
	_ =	sdelay $0x1  }
0x16e: {  	s24 =	simm.s32 $0x50  }
0x16f: {  	v9 =	vor.u32 s24, v5  }
0x170: {  	vm13 =	vlt.s32 v9, v7;
	v9 =	vadd.s32 v1, v9  }
0x171: {  	v9 =	vsel vm13, v8, v9  }
0x172: {  	v8 =	vshrl.u32 v8, $0x12;
	v9 =	vand.u32 $0x3FFFF, v9  }
0x173: {  	v8 =	vsel vm13, v8, v2;
	[tilespmem:$0x61D0] =	vst v9  }
0x174: {  	[tilespmem:$0x6250] =	vst v8  }
0x175: {  	v8 =	vld [tilespmem:s21+$0x20];
	_ =	sdelay $0x1  }
0x176: {  	s24 =	simm.s32 $0x60  }
0x177: {  	v9 =	vor.u32 s24, v5  }
0x178: {  	vm14 =	vlt.s32 v9, v7;
	v9 =	vadd.s32 v1, v9  }
0x179: {  	v9 =	vsel vm14, v8, v9  }
0x17a: {  	v8 =	vshrl.u32 v8, $0x12;
	v9 =	vand.u32 $0x3FFFF, v9  }
0x17b: {  	v8 =	vsel vm14, v8, v2;
	[tilespmem:$0x61E0] =	vst v9  }
0x17c: {  	[tilespmem:$0x6260] =	vst v8  }
0x17d: {  	v8 =	vld [tilespmem:s21+$0x30];
	_ =	sdelay $0x1  }
0x17e: {  	p0 =	sne.s32 s23, $0x1;
	s24 =	simm.s32 $0x70  }
.Ltmp12:
0x17f: {  	v9 =	vor.u32 s24, v5;
	(pc) =	sbr.rel @!p0 .LBB2_19-.Ltmp12, $4  }
0x180: {  	v10 =	vadd.s32 v1, v9;
	vm15 =	vlt.s32 v9, v7  }
0x181: {  	v9 =	vsel vm15, v8, v10  }
0x182: {  	v8 =	vshrl.u32 v8, $0x12;
	v9 =	vand.u32 $0x3FFFF, v9  }
0x183: {  	s23 =	sadd.s32 $0xFFFFFFFF, s23;
	v8 =	vsel vm15, v8, v2;
	[tilespmem:$0x61F0] =	vst v9  }
.LBB2_18:
0x184: {  	p0 =	sne.s32 s23, $0x1;
	[tilespmem:$0x6270] =	vst v8;
	s22 =	sadd.s32 $0x80, s22;
	s21 =	sadd.s32 $0x80, s21  }
0x185: {  	[tilespmem:s17], [sflag:$0x1] =	stream.indirect.gather [hbm4b:s6+s2], $0x80, s16, s2, $0xb8;
	[tilespmem:$0x1C300] =	vst v63  }
0x186: {  	s23 =	sadd.s32 $0xFFFFFFFF, s23;
	_ =	swait.ge [sflag:s26], $0x4000  }
0x187: {  	[sflag:s26] =	ssyncset.done $0x0  }
0x188: {  	[sflag:s26] =	ssyncadd.s32 $0xFFFFC000  }
0x189: {  	[spmem:s1] =	stream.indirect.scatter.add.f32 [tilespmem:s17], [sflag:$0x1], $0x80, s18, s2, $0xb8;
	[tilespmem:$0x1C300] =	vst v63  }
0x18a: {  	_ =	swait.ge [sflag:s26], $0x4000  }
0x18b: {  	[sflag:s26] =	ssyncset.done $0x0  }
0x18c: {  	[sflag:s26] =	ssyncadd.s32 $0xFFFFC000  }
0x18d: {  	v8 =	vld [tilespmem:s21+$0xFFFFFFC0];
	_ =	sdelay $0x2  }
0x18e: {  	v9 =	vor.u32 s22, v5  }
0x18f: {  	vm0 =	vlt.s32 v9, v7;
	v9 =	vadd.s32 v1, v9  }
0x190: {  	v9 =	vsel vm0, v8, v9;
	v8 =	vshrl.u32 v8, $0x12  }
0x191: {  	v9 =	vand.u32 $0x3FFFF, v9;
	v8 =	vsel vm0, v8, v2  }
0x192: {  	[tilespmem:$0x6180] =	vst v9  }
0x193: {  	[tilespmem:$0x6200] =	vst v8  }
0x194: {  	v8 =	vld [tilespmem:s21+$0xFFFFFFD0]  }
0x195: {  	s19 =	sadd.s32 $0x10, s22  }
0x196: {  	v9 =	vor.u32 s19, v5  }
0x197: {  	vm0 =	vlt.s32 v9, v7;
	v9 =	vadd.s32 v1, v9;
	_ =	sdelay $0x1  }
0x198: {  	v9 =	vsel vm0, v8, v9;
	v8 =	vshrl.u32 v8, $0x12  }
0x199: {  	v9 =	vand.u32 $0x3FFFF, v9;
	v8 =	vsel vm0, v8, v2  }
0x19a: {  	[tilespmem:$0x6190] =	vst v9  }
0x19b: {  	[tilespmem:$0x6210] =	vst v8  }
0x19c: {  	s19 =	sadd.s32 $0x20, s22;
	v8 =	vld [tilespmem:s21+$0xFFFFFFE0]  }
0x19d: {  	v9 =	vor.u32 s19, v5  }
0x19e: {  	vm0 =	vlt.s32 v9, v7;
	v9 =	vadd.s32 v1, v9;
	_ =	sdelay $0x2  }
0x19f: {  	v9 =	vsel vm0, v8, v9;
	v8 =	vshrl.u32 v8, $0x12  }
0x1a0: {  	v9 =	vand.u32 $0x3FFFF, v9;
	v8 =	vsel vm0, v8, v2  }
0x1a1: {  	[tilespmem:$0x61A0] =	vst v9  }
0x1a2: {  	s19 =	sadd.s32 $0x30, s22;
	[tilespmem:$0x6220] =	vst v8  }
0x1a3: {  	v9 =	vor.u32 s19, v5;
	v8 =	vld [tilespmem:s21+$0xFFFFFFF0]  }
0x1a4: {  	vm0 =	vlt.s32 v9, v7;
	v9 =	vadd.s32 v1, v9;
	_ =	sdelay $0x3  }
0x1a5: {  	v9 =	vsel vm0, v8, v9;
	v8 =	vshrl.u32 v8, $0x12  }
0x1a6: {  	v9 =	vand.u32 $0x3FFFF, v9;
	v8 =	vsel vm0, v8, v2  }
0x1a7: {  	s19 =	sadd.s32 $0x40, s22;
	[tilespmem:$0x61B0] =	vst v9  }
0x1a8: {  	[tilespmem:$0x6230] =	vst v8;
	v8 =	vor.u32 s19, v5  }
0x1a9: {  	v9 =	vld [tilespmem:s21+$0x0];
	vm0 =	vlt.s32 v8, v7;
	v8 =	vadd.s32 v1, v8;
	_ =	sdelay $0x4  }
0x1aa: {  	v8 =	vsel vm0, v9, v8;
	v9 =	vshrl.u32 v9, $0x12  }
0x1ab: {  	s19 =	sadd.s32 $0x50, s22;
	v8 =	vand.u32 $0x3FFFF, v8;
	v9 =	vsel vm0, v9, v2  }
0x1ac: {  	[tilespmem:$0x61C0] =	vst v8;
	v8 =	vor.u32 s19, v5  }
0x1ad: {  	[tilespmem:$0x6240] =	vst v9;
	vm0 =	vlt.s32 v8, v7;
	v8 =	vadd.s32 v1, v8  }
0x1ae: {  	v9 =	vld [tilespmem:s21+$0x10];
	_ =	sdelay $0x4  }
0x1af: {  	s19 =	sadd.s32 $0x60, s22;
	v8 =	vsel vm0, v9, v8;
	v9 =	vshrl.u32 v9, $0x12  }
0x1b0: {  	v10 =	vor.u32 s19, v5;
	v8 =	vand.u32 $0x3FFFF, v8;
	v9 =	vsel vm0, v9, v2  }
0x1b1: {  	vm0 =	vlt.s32 v10, v7;
	[tilespmem:$0x61D0] =	vst v8;
	v8 =	vadd.s32 v1, v10  }
0x1b2: {  	[tilespmem:$0x6250] =	vst v9  }
0x1b3: {  	v9 =	vld [tilespmem:s21+$0x20];
	_ =	sdelay $0x3  }
0x1b4: {  	s19 =	sadd.s32 $0x70, s22  }
0x1b5: {  	v10 =	vor.u32 s19, v5;
	v8 =	vsel vm0, v9, v8;
	v9 =	vshrl.u32 v9, $0x12  }
0x1b6: {  	v11 =	vadd.s32 v1, v10;
	v8 =	vand.u32 $0x3FFFF, v8;
	v9 =	vsel vm0, v9, v2  }
0x1b7: {  	[tilespmem:$0x61E0] =	vst v8  }
0x1b8: {  	[tilespmem:$0x6260] =	vst v9  }
0x1b9: {  	v8 =	vld [tilespmem:s21+$0x30];
	_ =	sdelay $0x2  }
.Ltmp13:
0x1ba: {  	(pc) =	sbr.rel @p0 .LBB2_18-.Ltmp13, $4  }
0x1bb: {  	vm0 =	vlt.s32 v10, v7  }
0x1bc: {  	v9 =	vsel vm0, v8, v11;
	v8 =	vshrl.u32 v8, $0x12  }
0x1bd: {  	v9 =	vand.u32 $0x3FFFF, v9;
	v8 =	vsel vm0, v8, v2  }
0x1be: {  	[tilespmem:$0x61F0] =	vst v9  }
.Ltmp14:
0x1bf: {  	_ = 	snop;
	(pc) =	sbr.rel .LBB2_19-.Ltmp14, $1  }
0x1c0: {  	_ =	sdelay $0x3  }
.LBB2_22:
0x1c1: {  	_ =	sfence.sel $0x180000  }
0x1c2: {  	[bflag:$0x0] =	sbarrier.arrive $0xFFFF  }
0x1c3: {  	_ =	strace $0x90000047  }
0x1c4: {  	[bflag:$0x2] =	sbarrier.arrive $0xFFFF  }
0x1c5: {  	p0 =	sne.s32 s4, $0x0;
	s0 =	rddreg [dreg:$0x2]  }
0x1c6: {  	s0 =	sadd.s32 @!p0 $0x100000, s0  }
0x1c7: {  	[sflag:s0] =	ssyncadd.tile.s32 @!p0 $0x1;
	_ =	shalt  }
.Lfunc_end2:
_tile_overlayer_lowered:
.L_overlay_start_2:
0x1c8: {  	(tag) =	ssettag $0x2  }
0x1c9: {  	s0 =	rddreg [dreg:$0x0];
	s2 =	stileid.u32  }
0x1ca: {  	s1 =	rddreg [dreg:$0x1];
	p0 =	sne.s32 s2, $0x0  }
0x1cb: {  	s3 =	rddreg [dreg:$0x2];
	[bflag:$0x3] =	sbarrier.arrive $0xFFFF;
	s2 =	simm.s32 @!p0 $0x1C01  }
0x1cc: {  	[timem:s3], [sflag:s2] =	dma.local @!p0 [hbm:s0], s1  }
0x1cd: {  	s0 =	simm.s32 @!p0 $0x1  }
0x1ce: {  	_ =	swait.ge @!p0 [sflag:s0], s1  }
0x1cf: {  	s1 =	ssub.s32 @!p0 $0x0, s1;
	[sflag:s0] =	ssyncset.done @!p0 $0x0  }
0x1d0: {  	[sflag:s0] =	ssyncadd.s32 @!p0 s1  }
0x1d1: {  	[bflag:$0x3] =	sbarrier.arrive $0xFFFF  }
0x1d2: {  	_ =	shalt  }

</sc_bundles>
